<compile_context>
chip_gen: v7x
topology: tpu7x:2x2x1
jax: 0.10.2.dev20260603
libtpu: 0.0.44.dev20260713+nightly
codegen_flags: <defaults>
</compile_context>

<pallas_src>
import dataclasses
import functools

import jax
import jax.numpy as jnp
from jax import lax
from jax.experimental import pallas as pl
from jax.experimental.pallas import tpu as pltpu
from jax.experimental.pallas import tpu_sc as plsc

_N = 20000
_K = 100
_PK = 128
_NBINS = _K * _PK
_DUMMY = _NBINS
_NCORES = 2
_NSUB = 16
_NTILES = _NCORES * _NSUB
_SLAB = 816
_SBINS = _NSUB * _SLAB
_NFLUSH = 10
_FLUSH = _NBINS // _NFLUSH
_PER_TILE = 640
_TAIL = _N - (_NTILES - 1) * _PER_TILE
_IOU_TH = 0.5
_LANES = 16
_CHUNK = 128
_NCHUNKS = _PER_TILE // _CHUNK

_sc_params = pltpu.CompilerParams()
if "needs_layout_passes" in pltpu.CompilerParams.__dataclass_fields__:
    _sc_params = dataclasses.replace(_sc_params, needs_layout_passes=False)


@functools.cache
def _build_sc_hist():
    mesh = plsc.VectorSubcoreMesh(core_axis_name="c", subcore_axis_name="s")
    return pl.kernel(
        _sc_hist_body,
        out_type=jax.ShapeDtypeStruct((_NCORES, _NBINS), jnp.float32),
        mesh=mesh,
        compiler_params=_sc_params,
        scratch_types=[
            pltpu.VMEM((_PER_TILE,), jnp.float32),
            pltpu.VMEM((_PER_TILE,), jnp.float32),
            [pltpu.VMEM((_CHUNK,), jnp.int32) for _ in range(_NCHUNKS)],
            pltpu.VMEM((_CHUNK,), jnp.float32),
            pltpu.VMEM((_SLAB,), jnp.float32),
            pltpu.VMEM_SHARED((_SBINS,), jnp.float32),
            pltpu.SemaphoreType.DMA,
            pltpu.SemaphoreType.DMA,
            pltpu.SemaphoreType.DMA,
        ],
    )


def _sc_hist_body(pr_hbm, gt_hbm, out_hbm, pr_v, gt_v, idx_refs, ones_v,
                  zslab_v, shared, add_sem, in_sem, z_sem):
    cid = lax.axis_index("c")
    sid = lax.axis_index("s")
    wid = sid * _NCORES + cid
    base = wid * _PER_TILE

    @pl.when(wid < _NTILES - 1)
    def _load_full():
        pltpu.async_copy(pr_hbm.at[pl.ds(base, _PER_TILE)], pr_v, in_sem)
        pltpu.async_copy(gt_hbm.at[pl.ds(base, _PER_TILE)], gt_v, in_sem)

    @pl.when(wid == _NTILES - 1)
    def _load_tail():
        pltpu.async_copy(pr_hbm.at[pl.ds(base, _TAIL)],
                         pr_v.at[pl.ds(0, _TAIL)], in_sem)
        pltpu.async_copy(gt_hbm.at[pl.ds(base, _TAIL)],
                         gt_v.at[pl.ds(0, _TAIL)], in_sem)

    zero16 = jnp.zeros((_LANES,), jnp.float32)
    one16 = jnp.ones((_LANES,), jnp.float32)
    for v in range(_SLAB // _LANES):
        zslab_v[pl.ds(v * _LANES, _LANES)] = zero16
    for v in range(_CHUNK // _LANES):
        ones_v[pl.ds(v * _LANES, _LANES)] = one16
    pltpu.async_copy(zslab_v, shared.at[pl.ds(sid * _SLAB, _SLAB)], z_sem)

    @pl.when(wid < _NTILES - 1)
    def _wait_full():
        pltpu.make_async_copy(
            pr_hbm.at[pl.ds(base, _PER_TILE)], pr_v, in_sem).wait()
        pltpu.make_async_copy(
            gt_hbm.at[pl.ds(base, _PER_TILE)], gt_v, in_sem).wait()

    @pl.when(wid == _NTILES - 1)
    def _wait_tail():
        pltpu.make_async_copy(
            pr_hbm.at[pl.ds(base, _TAIL)], pr_v.at[pl.ds(0, _TAIL)],
            in_sem).wait()
        pltpu.make_async_copy(
            gt_hbm.at[pl.ds(base, _TAIL)], gt_v.at[pl.ds(0, _TAIL)],
            in_sem).wait()

    for c in range(_NCHUNKS):
        for v in range(_CHUNK // _LANES):
            i = c * _CHUNK + v * _LANES
            pr = pr_v[pl.ds(i, _LANES)]
            gt = gt_v[pl.ds(i, _LANES)]
            pair = (pr * float(_PK) + gt).astype(jnp.int32)
            idx_refs[c][pl.ds(v * _LANES, _LANES)] = pair

    @pl.when(wid == _NTILES - 1)
    def _pad_tail():
        dummy16 = jnp.full((_LANES,), _DUMMY, jnp.int32)
        for c in range(_NCHUNKS):
            for v in range(_CHUNK // _LANES):
                i = c * _CHUNK + v * _LANES
                if i >= _TAIL:
                    idx_refs[c][pl.ds(v * _LANES, _LANES)] = dummy16

    pltpu.make_async_copy(
        zslab_v, shared.at[pl.ds(sid * _SLAB, _SLAB)], z_sem).wait()
    plsc.subcore_barrier()
    add_cps = [
        pltpu.async_copy(ones_v, shared.at[idx_refs[c]], add=True,
                         sem=add_sem)
        for c in range(_NCHUNKS)
    ]
    for cp in add_cps:
        cp.wait()
    plsc.subcore_barrier()

    @pl.when(sid == 0)
    def _flush():
        pltpu.sync_copy(shared.at[pl.ds(0, _NBINS)], out_hbm.at[cid])


def _ap_from_confusion(C):
    pr_counts = jnp.sum(C, axis=1, keepdims=True)
    gt_counts = jnp.sum(C, axis=0, keepdims=True)
    union = pr_counts + gt_counts - C
    iou = jnp.where(union > 0, C / jnp.maximum(union, 1.0), 0.0)
    pr_present = (pr_counts > 0).astype(jnp.float32)
    gt_present = (gt_counts > 0).astype(jnp.float32)
    tp = jnp.sum((iou >= _IOU_TH).astype(jnp.float32) * pr_present,
                 axis=0, keepdims=True)
    fp = jnp.sum(((iou > 0) & (iou < _IOU_TH)).astype(jnp.float32) * pr_present,
                 axis=0, keepdims=True)
    denom = tp + fp
    precision = jnp.where(denom > 0, tp / jnp.maximum(denom, 1.0), 0.0)
    num = jnp.sum(precision * gt_present, axis=(0, 1), keepdims=True)
    cnt = jnp.sum(gt_present, axis=(0, 1), keepdims=True)
    return num / jnp.maximum(cnt, 1.0)


def _tc_post(hist_ref, out_ref):
    h = hist_ref[...].reshape(_NCORES, _K, _PK)
    C = jnp.sum(h, axis=0)
    out_ref[...] = _ap_from_confusion(C)


def kernel(input, target):
    hist = _build_sc_hist()(input, target)
    ap = pl.pallas_call(
        _tc_post,
        out_shape=jax.ShapeDtypeStruct((1, 1), jnp.float32),
    )(hist)
    return ap[0, 0]

# --- scband reference (transcript-rebuilt; emitter-appended) ---
"""Pipeline reference for scband-average-precision-9491877724869 (READ-ONLY COPY).

The authoritative reference and input builder live on the scoring server;
editing this copy changes nothing except your own understanding.
"""

import jax, jax.numpy as jnp
import numpy as np

IOU_TH = 0.5
NUM_LABELS = 100


def setup_inputs(seed: int = 0) -> dict:
    key = jax.random.key(seed)
    k1, k2 = jax.random.split(key)
    inp = jax.random.randint(k1, (20000,), 0, NUM_LABELS).astype(jnp.float32)
    tgt = jax.random.randint(k2, (20000,), 0, NUM_LABELS).astype(jnp.float32)
    return {"input": inp, "target": tgt}


def reference(input, target):
    # Faithful vectorization of the O(G*P*N) torch loop.
    # For every (pr_cluster, gt_cluster) pair:
    #   intersection = |{i: input[i]==p and target[i]==g}|
    #   union        = |{i: input[i]==p}| + |{i: target[i]==g}| - intersection
    # which is exactly the confusion matrix C[p, g] plus marginals.
    K = NUM_LABELS
    pr = input.astype(jnp.int32)
    gt = target.astype(jnp.int32)
    pair = pr * K + gt
    C = jnp.bincount(pair, length=K * K).reshape(K, K).astype(jnp.float32)
    pr_counts = C.sum(axis=1)  # |points in pr cluster p|
    gt_counts = C.sum(axis=0)  # |points in gt cluster g|
    union = pr_counts[:, None] + gt_counts[None, :] - C
    iou = jnp.where(union > 0, C / jnp.maximum(union, 1.0), 0.0)
    # only clusters that actually appear (the torch code iterates over set(labels))
    pr_present = (pr_counts > 0).astype(jnp.float32)
    gt_present = (gt_counts > 0).astype(jnp.float32)
    tp = ((iou >= IOU_TH).astype(jnp.float32) * pr_present[:, None]).sum(axis=0)
    fp = (((iou > 0) & (iou < IOU_TH)).astype(jnp.float32) * pr_present[:, None]).sum(axis=0)
    denom = tp + fp
    precision = jnp.where(denom > 0, tp / jnp.maximum(denom, 1.0), 0.0)
    ap = (precision * gt_present).sum() / jnp.maximum(gt_present.sum(), 1.0)
    return ap

if __name__ == "__main__":
    import jax
    _d = setup_inputs()
    print(jax.jit(kernel)(*tuple(_d.values())))

</pallas_src>

<mosaic_0001>
#map = affine_map<(d0, d1) -> (0)>
#map1 = affine_map<(d0, d1) -> (0, 0)>
module attributes {stable_mosaic.version = 14 : i64} {
  func.func @_sc_hist_body(%arg0: i32, %arg1: i32, %arg2: memref<20000xf32, #tpu.memory_space<hbm>>, %arg3: memref<20000xf32, #tpu.memory_space<hbm>>, %arg4: memref<2x12800xf32, #tpu.memory_space<hbm>>, %arg5: memref<640xf32, #tpu.memory_space<vmem>>, %arg6: memref<640xf32, #tpu.memory_space<vmem>>, %arg7: memref<128xi32, #tpu.memory_space<vmem>>, %arg8: memref<128xi32, #tpu.memory_space<vmem>>, %arg9: memref<128xi32, #tpu.memory_space<vmem>>, %arg10: memref<128xi32, #tpu.memory_space<vmem>>, %arg11: memref<128xi32, #tpu.memory_space<vmem>>, %arg12: memref<128xf32, #tpu.memory_space<vmem>>, %arg13: memref<816xf32, #tpu.memory_space<vmem>>, %arg14: memref<13056xf32, #tpu.memory_space<vmem_shared>>, %arg15: memref<!tpu.dma_semaphore, #tpu.memory_space<semaphore_mem>>, %arg16: memref<!tpu.dma_semaphore, #tpu.memory_space<semaphore_mem>>, %arg17: memref<!tpu.dma_semaphore, #tpu.memory_space<semaphore_mem>>) attributes {dimension_semantics = [#tpu.dimension_semantics<core_parallel>, #tpu.dimension_semantics<subcore_parallel>], iteration_bounds = array<i64: 2, 16>, scalar_prefetch = 0 : i64, scratch_operands = 13 : i64, tpu.core_type = #tpu.core_type<sc_vector_subcore>, window_params = [{transform_indices = #map}, {transform_indices = #map}, {transform_indices = #map1}]} {
    %mul3A = arith.constant 2 : i32
    %mul3A_0 = arith.muli %arg1, %mul3A : i32
    %add3A = arith.addi %mul3A_0, %arg0 : i32
    %mul3A_1 = arith.constant 640 : i32
    %mul3A_2 = arith.muli %add3A, %mul3A_1 : i32
    %lt3A = arith.constant 31 : i32
    %lt3A_3 = arith.cmpi slt, %add3A, %lt3A : i32
    %convert_element_type3A = arith.extui %lt3A_3 : i1 to i32
    %cond3A = arith.constant 0 : i32
    %cond3A_4 = arith.cmpi ne, %convert_element_type3A, %cond3A : i32
    scf.if %cond3A_4 {
      %dma_start3A_615 = tpu.memref_slice %arg2[%mul3A_2] : memref<20000xf32, #tpu.memory_space<hbm>> -> memref<640xf32, #tpu.memory_space<hbm>>
      %dma_start3A_616 = tpu.memref_slice %arg2[%mul3A_2] : memref<20000xf32, #tpu.memory_space<hbm>> -> memref<640xf32, #tpu.memory_space<hbm>>
      tpu.enqueue_dma source(%dma_start3A_616 : memref<640xf32, #tpu.memory_space<hbm>>) target(%arg5 : memref<640xf32, #tpu.memory_space<vmem>>) target_semaphore(%arg16 : memref<!tpu.dma_semaphore, #tpu.memory_space<semaphore_mem>>)
      %dma_start3A_617 = tpu.memref_slice %arg3[%mul3A_2] : memref<20000xf32, #tpu.memory_space<hbm>> -> memref<640xf32, #tpu.memory_space<hbm>>
      %dma_start3A_618 = tpu.memref_slice %arg3[%mul3A_2] : memref<20000xf32, #tpu.memory_space<hbm>> -> memref<640xf32, #tpu.memory_space<hbm>>
      tpu.enqueue_dma source(%dma_start3A_618 : memref<640xf32, #tpu.memory_space<hbm>>) target(%arg6 : memref<640xf32, #tpu.memory_space<vmem>>) target_semaphore(%arg16 : memref<!tpu.dma_semaphore, #tpu.memory_space<semaphore_mem>>)
    } else {
    }
    %eq3A = arith.constant 31 : i32
    %eq3A_5 = arith.cmpi eq, %add3A, %eq3A : i32
    %convert_element_type3A_6 = arith.extui %eq3A_5 : i1 to i32
    %cond3A_7 = arith.constant 0 : i32
    %cond3A_8 = arith.cmpi ne, %convert_element_type3A_6, %cond3A_7 : i32
    scf.if %cond3A_8 {
      %dma_start3A_615 = arith.constant 0 : i32
      %dma_start3A_616 = tpu.memref_slice %arg5[%dma_start3A_615] : memref<640xf32, #tpu.memory_space<vmem>> -> memref<160xf32, #tpu.memory_space<vmem>>
      %dma_start3A_617 = tpu.memref_slice %arg2[%mul3A_2] : memref<20000xf32, #tpu.memory_space<hbm>> -> memref<160xf32, #tpu.memory_space<hbm>>
      %dma_start3A_618 = arith.constant 0 : i32
      %dma_start3A_619 = tpu.memref_slice %arg5[%dma_start3A_618] : memref<640xf32, #tpu.memory_space<vmem>> -> memref<160xf32, #tpu.memory_space<vmem>>
      %dma_start3A_620 = tpu.memref_slice %arg2[%mul3A_2] : memref<20000xf32, #tpu.memory_space<hbm>> -> memref<160xf32, #tpu.memory_space<hbm>>
      tpu.enqueue_dma source(%dma_start3A_620 : memref<160xf32, #tpu.memory_space<hbm>>) target(%dma_start3A_619 : memref<160xf32, #tpu.memory_space<vmem>>) target_semaphore(%arg16 : memref<!tpu.dma_semaphore, #tpu.memory_space<semaphore_mem>>)
      %dma_start3A_621 = arith.constant 0 : i32
      %dma_start3A_622 = tpu.memref_slice %arg6[%dma_start3A_621] : memref<640xf32, #tpu.memory_space<vmem>> -> memref<160xf32, #tpu.memory_space<vmem>>
      %dma_start3A_623 = tpu.memref_slice %arg3[%mul3A_2] : memref<20000xf32, #tpu.memory_space<hbm>> -> memref<160xf32, #tpu.memory_space<hbm>>
      %dma_start3A_624 = arith.constant 0 : i32
      %dma_start3A_625 = tpu.memref_slice %arg6[%dma_start3A_624] : memref<640xf32, #tpu.memory_space<vmem>> -> memref<160xf32, #tpu.memory_space<vmem>>
      %dma_start3A_626 = tpu.memref_slice %arg3[%mul3A_2] : memref<20000xf32, #tpu.memory_space<hbm>> -> memref<160xf32, #tpu.memory_space<hbm>>
      tpu.enqueue_dma source(%dma_start3A_626 : memref<160xf32, #tpu.memory_space<hbm>>) target(%dma_start3A_625 : memref<160xf32, #tpu.memory_space<vmem>>) target_semaphore(%arg16 : memref<!tpu.dma_semaphore, #tpu.memory_space<semaphore_mem>>)
    } else {
    }
    %broadcast_in_dim3A = arith.constant 0.000000e+00 : f32
    %broadcast_in_dim3A_9 = vector.broadcast %broadcast_in_dim3A : f32 to vector<16xf32>
    %broadcast_in_dim3A_10 = arith.constant 1.000000e+00 : f32
    %broadcast_in_dim3A_11 = vector.broadcast %broadcast_in_dim3A_10 : f32 to vector<16xf32>
    %swap3A = arith.constant 0 : index
    %swap3A_12 = tpu.vector_load %arg13[%swap3A] {strides = array<i32>} : memref<816xf32, #tpu.memory_space<vmem>>, vector<16xf32>,
    tpu.vector_store %arg13[%swap3A], %broadcast_in_dim3A_9 {strides = array<i32>} : memref<816xf32, #tpu.memory_space<vmem>>, vector<16xf32>,
    %swap3A_13 = arith.constant 16 : index
    %swap3A_14 = tpu.vector_load %arg13[%swap3A_13] {strides = array<i32>} : memref<816xf32, #tpu.memory_space<vmem>>, vector<16xf32>,
    tpu.vector_store %arg13[%swap3A_13], %broadcast_in_dim3A_9 {strides = array<i32>} : memref<816xf32, #tpu.memory_space<vmem>>, vector<16xf32>,
    %swap3A_15 = arith.constant 32 : index
    %swap3A_16 = tpu.vector_load %arg13[%swap3A_15] {strides = array<i32>} : memref<816xf32, #tpu.memory_space<vmem>>, vector<16xf32>,
    tpu.vector_store %arg13[%swap3A_15], %broadcast_in_dim3A_9 {strides = array<i32>} : memref<816xf32, #tpu.memory_space<vmem>>, vector<16xf32>,
    %swap3A_17 = arith.constant 48 : index
    %swap3A_18 = tpu.vector_load %arg13[%swap3A_17] {strides = array<i32>} : memref<816xf32, #tpu.memory_space<vmem>>, vector<16xf32>,
    tpu.vector_store %arg13[%swap3A_17], %broadcast_in_dim3A_9 {strides = array<i32>} : memref<816xf32, #tpu.memory_space<vmem>>, vector<16xf32>,
    %swap3A_19 = arith.constant 64 : index
    %swap3A_20 = tpu.vector_load %arg13[%swap3A_19] {strides = array<i32>} : memref<816xf32, #tpu.memory_space<vmem>>, vector<16xf32>,
    tpu.vector_store %arg13[%swap3A_19], %broadcast_in_dim3A_9 {strides = array<i32>} : memref<816xf32, #tpu.memory_space<vmem>>, vector<16xf32>,
    %swap3A_21 = arith.constant 80 : index
    %swap3A_22 = tpu.vector_load %arg13[%swap3A_21] {strides = array<i32>} : memref<816xf32, #tpu.memory_space<vmem>>, vector<16xf32>,
    tpu.vector_store %arg13[%swap3A_21], %broadcast_in_dim3A_9 {strides = array<i32>} : memref<816xf32, #tpu.memory_space<vmem>>, vector<16xf32>,
    %swap3A_23 = arith.constant 96 : index
    %swap3A_24 = tpu.vector_load %arg13[%swap3A_23] {strides = array<i32>} : memref<816xf32, #tpu.memory_space<vmem>>, vector<16xf32>,
    tpu.vector_store %arg13[%swap3A_23], %broadcast_in_dim3A_9 {strides = array<i32>} : memref<816xf32, #tpu.memory_space<vmem>>, vector<16xf32>,
    %swap3A_25 = arith.constant 112 : index
    %swap3A_26 = tpu.vector_load %arg13[%swap3A_25] {strides = array<i32>} : memref<816xf32, #tpu.memory_space<vmem>>, vector<16xf32>,
    tpu.vector_store %arg13[%swap3A_25], %broadcast_in_dim3A_9 {strides = array<i32>} : memref<816xf32, #tpu.memory_space<vmem>>, vector<16xf32>,
    %swap3A_27 = arith.constant 128 : index
    %swap3A_28 = tpu.vector_load %arg13[%swap3A_27] {strides = array<i32>} : memref<816xf32, #tpu.memory_space<vmem>>, vector<16xf32>,
    tpu.vector_store %arg13[%swap3A_27], %broadcast_in_dim3A_9 {strides = array<i32>} : memref<816xf32, #tpu.memory_space<vmem>>, vector<16xf32>,
    %swap3A_29 = arith.constant 144 : index
    %swap3A_30 = tpu.vector_load %arg13[%swap3A_29] {strides = array<i32>} : memref<816xf32, #tpu.memory_space<vmem>>, vector<16xf32>,
    tpu.vector_store %arg13[%swap3A_29], %broadcast_in_dim3A_9 {strides = array<i32>} : memref<816xf32, #tpu.memory_space<vmem>>, vector<16xf32>,
    %swap3A_31 = arith.constant 160 : index
    %swap3A_32 = tpu.vector_load %arg13[%swap3A_31] {strides = array<i32>} : memref<816xf32, #tpu.memory_space<vmem>>, vector<16xf32>,
    tpu.vector_store %arg13[%swap3A_31], %broadcast_in_dim3A_9 {strides = array<i32>} : memref<816xf32, #tpu.memory_space<vmem>>, vector<16xf32>,
    %swap3A_33 = arith.constant 176 : index
    %swap3A_34 = tpu.vector_load %arg13[%swap3A_33] {strides = array<i32>} : memref<816xf32, #tpu.memory_space<vmem>>, vector<16xf32>,
    tpu.vector_store %arg13[%swap3A_33], %broadcast_in_dim3A_9 {strides = array<i32>} : memref<816xf32, #tpu.memory_space<vmem>>, vector<16xf32>,
    %swap3A_35 = arith.constant 192 : index
    %swap3A_36 = tpu.vector_load %arg13[%swap3A_35] {strides = array<i32>} : memref<816xf32, #tpu.memory_space<vmem>>, vector<16xf32>,
    tpu.vector_store %arg13[%swap3A_35], %broadcast_in_dim3A_9 {strides = array<i32>} : memref<816xf32, #tpu.memory_space<vmem>>, vector<16xf32>,
    %swap3A_37 = arith.constant 208 : index
    %swap3A_38 = tpu.vector_load %arg13[%swap3A_37] {strides = array<i32>} : memref<816xf32, #tpu.memory_space<vmem>>, vector<16xf32>,
    tpu.vector_store %arg13[%swap3A_37], %broadcast_in_dim3A_9 {strides = array<i32>} : memref<816xf32, #tpu.memory_space<vmem>>, vector<16xf32>,
    %swap3A_39 = arith.constant 224 : index
    %swap3A_40 = tpu.vector_load %arg13[%swap3A_39] {strides = array<i32>} : memref<816xf32, #tpu.memory_space<vmem>>, vector<16xf32>,
    tpu.vector_store %arg13[%swap3A_39], %broadcast_in_dim3A_9 {strides = array<i32>} : memref<816xf32, #tpu.memory_space<vmem>>, vector<16xf32>,
    %swap3A_41 = arith.constant 240 : index
    %swap3A_42 = tpu.vector_load %arg13[%swap3A_41] {strides = array<i32>} : memref<816xf32, #tpu.memory_space<vmem>>, vector<16xf32>,
    tpu.vector_store %arg13[%swap3A_41], %broadcast_in_dim3A_9 {strides = array<i32>} : memref<816xf32, #tpu.memory_space<vmem>>, vector<16xf32>,
    %swap3A_43 = arith.constant 256 : index
    %swap3A_44 = tpu.vector_load %arg13[%swap3A_43] {strides = array<i32>} : memref<816xf32, #tpu.memory_space<vmem>>, vector<16xf32>,
    tpu.vector_store %arg13[%swap3A_43], %broadcast_in_dim3A_9 {strides = array<i32>} : memref<816xf32, #tpu.memory_space<vmem>>, vector<16xf32>,
    %swap3A_45 = arith.constant 272 : index
    %swap3A_46 = tpu.vector_load %arg13[%swap3A_45] {strides = array<i32>} : memref<816xf32, #tpu.memory_space<vmem>>, vector<16xf32>,
    tpu.vector_store %arg13[%swap3A_45], %broadcast_in_dim3A_9 {strides = array<i32>} : memref<816xf32, #tpu.memory_space<vmem>>, vector<16xf32>,
    %swap3A_47 = arith.constant 288 : index
    %swap3A_48 = tpu.vector_load %arg13[%swap3A_47] {strides = array<i32>} : memref<816xf32, #tpu.memory_space<vmem>>, vector<16xf32>,
    tpu.vector_store %arg13[%swap3A_47], %broadcast_in_dim3A_9 {strides = array<i32>} : memref<816xf32, #tpu.memory_space<vmem>>, vector<16xf32>,
    %swap3A_49 = arith.constant 304 : index
    %swap3A_50 = tpu.vector_load %arg13[%swap3A_49] {strides = array<i32>} : memref<816xf32, #tpu.memory_space<vmem>>, vector<16xf32>,
    tpu.vector_store %arg13[%swap3A_49], %broadcast_in_dim3A_9 {strides = array<i32>} : memref<816xf32, #tpu.memory_space<vmem>>, vector<16xf32>,
    %swap3A_51 = arith.constant 320 : index
    %swap3A_52 = tpu.vector_load %arg13[%swap3A_51] {strides = array<i32>} : memref<816xf32, #tpu.memory_space<vmem>>, vector<16xf32>,
    tpu.vector_store %arg13[%swap3A_51], %broadcast_in_dim3A_9 {strides = array<i32>} : memref<816xf32, #tpu.memory_space<vmem>>, vector<16xf32>,
    %swap3A_53 = arith.constant 336 : index
    %swap3A_54 = tpu.vector_load %arg13[%swap3A_53] {strides = array<i32>} : memref<816xf32, #tpu.memory_space<vmem>>, vector<16xf32>,
    tpu.vector_store %arg13[%swap3A_53], %broadcast_in_dim3A_9 {strides = array<i32>} : memref<816xf32, #tpu.memory_space<vmem>>, vector<16xf32>,
    %swap3A_55 = arith.constant 352 : index
    %swap3A_56 = tpu.vector_load %arg13[%swap3A_55] {strides = array<i32>} : memref<816xf32, #tpu.memory_space<vmem>>, vector<16xf32>,
    tpu.vector_store %arg13[%swap3A_55], %broadcast_in_dim3A_9 {strides = array<i32>} : memref<816xf32, #tpu.memory_space<vmem>>, vector<16xf32>,
    %swap3A_57 = arith.constant 368 : index
    %swap3A_58 = tpu.vector_load %arg13[%swap3A_57] {strides = array<i32>} : memref<816xf32, #tpu.memory_space<vmem>>, vector<16xf32>,
    tpu.vector_store %arg13[%swap3A_57], %broadcast_in_dim3A_9 {strides = array<i32>} : memref<816xf32, #tpu.memory_space<vmem>>, vector<16xf32>,
    %swap3A_59 = arith.constant 384 : index
    %swap3A_60 = tpu.vector_load %arg13[%swap3A_59] {strides = array<i32>} : memref<816xf32, #tpu.memory_space<vmem>>, vector<16xf32>,
    tpu.vector_store %arg13[%swap3A_59], %broadcast_in_dim3A_9 {strides = array<i32>} : memref<816xf32, #tpu.memory_space<vmem>>, vector<16xf32>,
    %swap3A_61 = arith.constant 400 : index
    %swap3A_62 = tpu.vector_load %arg13[%swap3A_61] {strides = array<i32>} : memref<816xf32, #tpu.memory_space<vmem>>, vector<16xf32>,
    tpu.vector_store %arg13[%swap3A_61], %broadcast_in_dim3A_9 {strides = array<i32>} : memref<816xf32, #tpu.memory_space<vmem>>, vector<16xf32>,
    %swap3A_63 = arith.constant 416 : index
    %swap3A_64 = tpu.vector_load %arg13[%swap3A_63] {strides = array<i32>} : memref<816xf32, #tpu.memory_space<vmem>>, vector<16xf32>,
    tpu.vector_store %arg13[%swap3A_63], %broadcast_in_dim3A_9 {strides = array<i32>} : memref<816xf32, #tpu.memory_space<vmem>>, vector<16xf32>,
    %swap3A_65 = arith.constant 432 : index
    %swap3A_66 = tpu.vector_load %arg13[%swap3A_65] {strides = array<i32>} : memref<816xf32, #tpu.memory_space<vmem>>, vector<16xf32>,
    tpu.vector_store %arg13[%swap3A_65], %broadcast_in_dim3A_9 {strides = array<i32>} : memref<816xf32, #tpu.memory_space<vmem>>, vector<16xf32>,
    %swap3A_67 = arith.constant 448 : index
    %swap3A_68 = tpu.vector_load %arg13[%swap3A_67] {strides = array<i32>} : memref<816xf32, #tpu.memory_space<vmem>>, vector<16xf32>,
    tpu.vector_store %arg13[%swap3A_67], %broadcast_in_dim3A_9 {strides = array<i32>} : memref<816xf32, #tpu.memory_space<vmem>>, vector<16xf32>,
    %swap3A_69 = arith.constant 464 : index
    %swap3A_70 = tpu.vector_load %arg13[%swap3A_69] {strides = array<i32>} : memref<816xf32, #tpu.memory_space<vmem>>, vector<16xf32>,
    tpu.vector_store %arg13[%swap3A_69], %broadcast_in_dim3A_9 {strides = array<i32>} : memref<816xf32, #tpu.memory_space<vmem>>, vector<16xf32>,
    %swap3A_71 = arith.constant 480 : index
    %swap3A_72 = tpu.vector_load %arg13[%swap3A_71] {strides = array<i32>} : memref<816xf32, #tpu.memory_space<vmem>>, vector<16xf32>,
    tpu.vector_store %arg13[%swap3A_71], %broadcast_in_dim3A_9 {strides = array<i32>} : memref<816xf32, #tpu.memory_space<vmem>>, vector<16xf32>,
    %swap3A_73 = arith.constant 496 : index
    %swap3A_74 = tpu.vector_load %arg13[%swap3A_73] {strides = array<i32>} : memref<816xf32, #tpu.memory_space<vmem>>, vector<16xf32>,
    tpu.vector_store %arg13[%swap3A_73], %broadcast_in_dim3A_9 {strides = array<i32>} : memref<816xf32, #tpu.memory_space<vmem>>, vector<16xf32>,
    %swap3A_75 = arith.constant 512 : index
    %swap3A_76 = tpu.vector_load %arg13[%swap3A_75] {strides = array<i32>} : memref<816xf32, #tpu.memory_space<vmem>>, vector<16xf32>,
    tpu.vector_store %arg13[%swap3A_75], %broadcast_in_dim3A_9 {strides = array<i32>} : memref<816xf32, #tpu.memory_space<vmem>>, vector<16xf32>,
    %swap3A_77 = arith.constant 528 : index
    %swap3A_78 = tpu.vector_load %arg13[%swap3A_77] {strides = array<i32>} : memref<816xf32, #tpu.memory_space<vmem>>, vector<16xf32>,
    tpu.vector_store %arg13[%swap3A_77], %broadcast_in_dim3A_9 {strides = array<i32>} : memref<816xf32, #tpu.memory_space<vmem>>, vector<16xf32>,
    %swap3A_79 = arith.constant 544 : index
    %swap3A_80 = tpu.vector_load %arg13[%swap3A_79] {strides = array<i32>} : memref<816xf32, #tpu.memory_space<vmem>>, vector<16xf32>,
    tpu.vector_store %arg13[%swap3A_79], %broadcast_in_dim3A_9 {strides = array<i32>} : memref<816xf32, #tpu.memory_space<vmem>>, vector<16xf32>,
    %swap3A_81 = arith.constant 560 : index
    %swap3A_82 = tpu.vector_load %arg13[%swap3A_81] {strides = array<i32>} : memref<816xf32, #tpu.memory_space<vmem>>, vector<16xf32>,
    tpu.vector_store %arg13[%swap3A_81], %broadcast_in_dim3A_9 {strides = array<i32>} : memref<816xf32, #tpu.memory_space<vmem>>, vector<16xf32>,
    %swap3A_83 = arith.constant 576 : index
    %swap3A_84 = tpu.vector_load %arg13[%swap3A_83] {strides = array<i32>} : memref<816xf32, #tpu.memory_space<vmem>>, vector<16xf32>,
    tpu.vector_store %arg13[%swap3A_83], %broadcast_in_dim3A_9 {strides = array<i32>} : memref<816xf32, #tpu.memory_space<vmem>>, vector<16xf32>,
    %swap3A_85 = arith.constant 592 : index
    %swap3A_86 = tpu.vector_load %arg13[%swap3A_85] {strides = array<i32>} : memref<816xf32, #tpu.memory_space<vmem>>, vector<16xf32>,
    tpu.vector_store %arg13[%swap3A_85], %broadcast_in_dim3A_9 {strides = array<i32>} : memref<816xf32, #tpu.memory_space<vmem>>, vector<16xf32>,
    %swap3A_87 = arith.constant 608 : index
    %swap3A_88 = tpu.vector_load %arg13[%swap3A_87] {strides = array<i32>} : memref<816xf32, #tpu.memory_space<vmem>>, vector<16xf32>,
    tpu.vector_store %arg13[%swap3A_87], %broadcast_in_dim3A_9 {strides = array<i32>} : memref<816xf32, #tpu.memory_space<vmem>>, vector<16xf32>,
    %swap3A_89 = arith.constant 624 : index
    %swap3A_90 = tpu.vector_load %arg13[%swap3A_89] {strides = array<i32>} : memref<816xf32, #tpu.memory_space<vmem>>, vector<16xf32>,
    tpu.vector_store %arg13[%swap3A_89], %broadcast_in_dim3A_9 {strides = array<i32>} : memref<816xf32, #tpu.memory_space<vmem>>, vector<16xf32>,
    %swap3A_91 = arith.constant 640 : index
    %swap3A_92 = tpu.vector_load %arg13[%swap3A_91] {strides = array<i32>} : memref<816xf32, #tpu.memory_space<vmem>>, vector<16xf32>,
    tpu.vector_store %arg13[%swap3A_91], %broadcast_in_dim3A_9 {strides = array<i32>} : memref<816xf32, #tpu.memory_space<vmem>>, vector<16xf32>,
    %swap3A_93 = arith.constant 656 : index
    %swap3A_94 = tpu.vector_load %arg13[%swap3A_93] {strides = array<i32>} : memref<816xf32, #tpu.memory_space<vmem>>, vector<16xf32>,
    tpu.vector_store %arg13[%swap3A_93], %broadcast_in_dim3A_9 {strides = array<i32>} : memref<816xf32, #tpu.memory_space<vmem>>, vector<16xf32>,
    %swap3A_95 = arith.constant 672 : index
    %swap3A_96 = tpu.vector_load %arg13[%swap3A_95] {strides = array<i32>} : memref<816xf32, #tpu.memory_space<vmem>>, vector<16xf32>,
    tpu.vector_store %arg13[%swap3A_95], %broadcast_in_dim3A_9 {strides = array<i32>} : memref<816xf32, #tpu.memory_space<vmem>>, vector<16xf32>,
    %swap3A_97 = arith.constant 688 : index
    %swap3A_98 = tpu.vector_load %arg13[%swap3A_97] {strides = array<i32>} : memref<816xf32, #tpu.memory_space<vmem>>, vector<16xf32>,
    tpu.vector_store %arg13[%swap3A_97], %broadcast_in_dim3A_9 {strides = array<i32>} : memref<816xf32, #tpu.memory_space<vmem>>, vector<16xf32>,
    %swap3A_99 = arith.constant 704 : index
    %swap3A_100 = tpu.vector_load %arg13[%swap3A_99] {strides = array<i32>} : memref<816xf32, #tpu.memory_space<vmem>>, vector<16xf32>,
    tpu.vector_store %arg13[%swap3A_99], %broadcast_in_dim3A_9 {strides = array<i32>} : memref<816xf32, #tpu.memory_space<vmem>>, vector<16xf32>,
    %swap3A_101 = arith.constant 720 : index
    %swap3A_102 = tpu.vector_load %arg13[%swap3A_101] {strides = array<i32>} : memref<816xf32, #tpu.memory_space<vmem>>, vector<16xf32>,
    tpu.vector_store %arg13[%swap3A_101], %broadcast_in_dim3A_9 {strides = array<i32>} : memref<816xf32, #tpu.memory_space<vmem>>, vector<16xf32>,
    %swap3A_103 = arith.constant 736 : index
    %swap3A_104 = tpu.vector_load %arg13[%swap3A_103] {strides = array<i32>} : memref<816xf32, #tpu.memory_space<vmem>>, vector<16xf32>,
    tpu.vector_store %arg13[%swap3A_103], %broadcast_in_dim3A_9 {strides = array<i32>} : memref<816xf32, #tpu.memory_space<vmem>>, vector<16xf32>,
    %swap3A_105 = arith.constant 752 : index
    %swap3A_106 = tpu.vector_load %arg13[%swap3A_105] {strides = array<i32>} : memref<816xf32, #tpu.memory_space<vmem>>, vector<16xf32>,
    tpu.vector_store %arg13[%swap3A_105], %broadcast_in_dim3A_9 {strides = array<i32>} : memref<816xf32, #tpu.memory_space<vmem>>, vector<16xf32>,
    %swap3A_107 = arith.constant 768 : index
    %swap3A_108 = tpu.vector_load %arg13[%swap3A_107] {strides = array<i32>} : memref<816xf32, #tpu.memory_space<vmem>>, vector<16xf32>,
    tpu.vector_store %arg13[%swap3A_107], %broadcast_in_dim3A_9 {strides = array<i32>} : memref<816xf32, #tpu.memory_space<vmem>>, vector<16xf32>,
    %swap3A_109 = arith.constant 784 : index
    %swap3A_110 = tpu.vector_load %arg13[%swap3A_109] {strides = array<i32>} : memref<816xf32, #tpu.memory_space<vmem>>, vector<16xf32>,
    tpu.vector_store %arg13[%swap3A_109], %broadcast_in_dim3A_9 {strides = array<i32>} : memref<816xf32, #tpu.memory_space<vmem>>, vector<16xf32>,
    %swap3A_111 = arith.constant 800 : index
    %swap3A_112 = tpu.vector_load %arg13[%swap3A_111] {strides = array<i32>} : memref<816xf32, #tpu.memory_space<vmem>>, vector<16xf32>,
    tpu.vector_store %arg13[%swap3A_111], %broadcast_in_dim3A_9 {strides = array<i32>} : memref<816xf32, #tpu.memory_space<vmem>>, vector<16xf32>,
    %swap3A_113 = arith.constant 0 : index
    %swap3A_114 = tpu.vector_load %arg12[%swap3A_113] {strides = array<i32>} : memref<128xf32, #tpu.memory_space<vmem>>, vector<16xf32>,
    tpu.vector_store %arg12[%swap3A_113], %broadcast_in_dim3A_11 {strides = array<i32>} : memref<128xf32, #tpu.memory_space<vmem>>, vector<16xf32>,
    %swap3A_115 = arith.constant 16 : index
    %swap3A_116 = tpu.vector_load %arg12[%swap3A_115] {strides = array<i32>} : memref<128xf32, #tpu.memory_space<vmem>>, vector<16xf32>,
    tpu.vector_store %arg12[%swap3A_115], %broadcast_in_dim3A_11 {strides = array<i32>} : memref<128xf32, #tpu.memory_space<vmem>>, vector<16xf32>,
    %swap3A_117 = arith.constant 32 : index
    %swap3A_118 = tpu.vector_load %arg12[%swap3A_117] {strides = array<i32>} : memref<128xf32, #tpu.memory_space<vmem>>, vector<16xf32>,
    tpu.vector_store %arg12[%swap3A_117], %broadcast_in_dim3A_11 {strides = array<i32>} : memref<128xf32, #tpu.memory_space<vmem>>, vector<16xf32>,
    %swap3A_119 = arith.constant 48 : index
    %swap3A_120 = tpu.vector_load %arg12[%swap3A_119] {strides = array<i32>} : memref<128xf32, #tpu.memory_space<vmem>>, vector<16xf32>,
    tpu.vector_store %arg12[%swap3A_119], %broadcast_in_dim3A_11 {strides = array<i32>} : memref<128xf32, #tpu.memory_space<vmem>>, vector<16xf32>,
    %swap3A_121 = arith.constant 64 : index
    %swap3A_122 = tpu.vector_load %arg12[%swap3A_121] {strides = array<i32>} : memref<128xf32, #tpu.memory_space<vmem>>, vector<16xf32>,
    tpu.vector_store %arg12[%swap3A_121], %broadcast_in_dim3A_11 {strides = array<i32>} : memref<128xf32, #tpu.memory_space<vmem>>, vector<16xf32>,
    %swap3A_123 = arith.constant 80 : index
    %swap3A_124 = tpu.vector_load %arg12[%swap3A_123] {strides = array<i32>} : memref<128xf32, #tpu.memory_space<vmem>>, vector<16xf32>,
    tpu.vector_store %arg12[%swap3A_123], %broadcast_in_dim3A_11 {strides = array<i32>} : memref<128xf32, #tpu.memory_space<vmem>>, vector<16xf32>,
    %swap3A_125 = arith.constant 96 : index
    %swap3A_126 = tpu.vector_load %arg12[%swap3A_125] {strides = array<i32>} : memref<128xf32, #tpu.memory_space<vmem>>, vector<16xf32>,
    tpu.vector_store %arg12[%swap3A_125], %broadcast_in_dim3A_11 {strides = array<i32>} : memref<128xf32, #tpu.memory_space<vmem>>, vector<16xf32>,
    %swap3A_127 = arith.constant 112 : index
    %swap3A_128 = tpu.vector_load %arg12[%swap3A_127] {strides = array<i32>} : memref<128xf32, #tpu.memory_space<vmem>>, vector<16xf32>,
    tpu.vector_store %arg12[%swap3A_127], %broadcast_in_dim3A_11 {strides = array<i32>} : memref<128xf32, #tpu.memory_space<vmem>>, vector<16xf32>,
    %mul3A_129 = arith.constant 816 : i32
    %mul3A_130 = arith.muli %arg1, %mul3A_129 : i32
    %dma_start3A = tpu.memref_slice %arg14[%mul3A_130] : memref<13056xf32, #tpu.memory_space<vmem_shared>> -> memref<816xf32, #tpu.memory_space<vmem_shared>>
    %dma_start3A_131 = tpu.memref_slice %arg14[%mul3A_130] : memref<13056xf32, #tpu.memory_space<vmem_shared>> -> memref<816xf32, #tpu.memory_space<vmem_shared>>
    tpu.enqueue_dma source(%arg13 : memref<816xf32, #tpu.memory_space<vmem>>) target(%dma_start3A_131 : memref<816xf32, #tpu.memory_space<vmem_shared>>) target_semaphore(%arg17 : memref<!tpu.dma_semaphore, #tpu.memory_space<semaphore_mem>>)
    %lt3A_132 = arith.constant 31 : i32
    %lt3A_133 = arith.cmpi slt, %add3A, %lt3A_132 : i32
    %convert_element_type3A_134 = arith.extui %lt3A_133 : i1 to i32
    %cond3A_135 = arith.constant 0 : i32
    %cond3A_136 = arith.cmpi ne, %convert_element_type3A_134, %cond3A_135 : i32
    scf.if %cond3A_136 {
      %dma_wait3A_615 = tpu.memref_slice %arg2[%mul3A_2] : memref<20000xf32, #tpu.memory_space<hbm>> -> memref<640xf32, #tpu.memory_space<hbm>>
      %dma_wait3A_616 = tpu.memref_slice %arg2[%mul3A_2] : memref<20000xf32, #tpu.memory_space<hbm>> -> memref<640xf32, #tpu.memory_space<hbm>>
      tpu.wait_dma2 semaphore(%arg16 : memref<!tpu.dma_semaphore, #tpu.memory_space<semaphore_mem>>) src(%dma_wait3A_616 : memref<640xf32, #tpu.memory_space<hbm>>) dst(%arg5 : memref<640xf32, #tpu.memory_space<vmem>>)
      %dma_wait3A_617 = tpu.memref_slice %arg3[%mul3A_2] : memref<20000xf32, #tpu.memory_space<hbm>> -> memref<640xf32, #tpu.memory_space<hbm>>
      %dma_wait3A_618 = tpu.memref_slice %arg3[%mul3A_2] : memref<20000xf32, #tpu.memory_space<hbm>> -> memref<640xf32, #tpu.memory_space<hbm>>
      tpu.wait_dma2 semaphore(%arg16 : memref<!tpu.dma_semaphore, #tpu.memory_space<semaphore_mem>>) src(%dma_wait3A_618 : memref<640xf32, #tpu.memory_space<hbm>>) dst(%arg6 : memref<640xf32, #tpu.memory_space<vmem>>)
    } else {
    }
    %eq3A_137 = arith.constant 31 : i32
    %eq3A_138 = arith.cmpi eq, %add3A, %eq3A_137 : i32
    %convert_element_type3A_139 = arith.extui %eq3A_138 : i1 to i32
    %cond3A_140 = arith.constant 0 : i32
    %cond3A_141 = arith.cmpi ne, %convert_element_type3A_139, %cond3A_140 : i32
    scf.if %cond3A_141 {
      %dma_wait3A_615 = arith.constant 0 : i32
      %dma_wait3A_616 = tpu.memref_slice %arg5[%dma_wait3A_615] : memref<640xf32, #tpu.memory_space<vmem>> -> memref<160xf32, #tpu.memory_space<vmem>>
      %dma_wait3A_617 = tpu.memref_slice %arg2[%mul3A_2] : memref<20000xf32, #tpu.memory_space<hbm>> -> memref<160xf32, #tpu.memory_space<hbm>>
      %dma_wait3A_618 = arith.constant 0 : i32
      %dma_wait3A_619 = tpu.memref_slice %arg5[%dma_wait3A_618] : memref<640xf32, #tpu.memory_space<vmem>> -> memref<160xf32, #tpu.memory_space<vmem>>
      %dma_wait3A_620 = tpu.memref_slice %arg2[%mul3A_2] : memref<20000xf32, #tpu.memory_space<hbm>> -> memref<160xf32, #tpu.memory_space<hbm>>
      tpu.wait_dma2 semaphore(%arg16 : memref<!tpu.dma_semaphore, #tpu.memory_space<semaphore_mem>>) src(%dma_wait3A_620 : memref<160xf32, #tpu.memory_space<hbm>>) dst(%dma_wait3A_619 : memref<160xf32, #tpu.memory_space<vmem>>)
      %dma_wait3A_621 = arith.constant 0 : i32
      %dma_wait3A_622 = tpu.memref_slice %arg6[%dma_wait3A_621] : memref<640xf32, #tpu.memory_space<vmem>> -> memref<160xf32, #tpu.memory_space<vmem>>
      %dma_wait3A_623 = tpu.memref_slice %arg3[%mul3A_2] : memref<20000xf32, #tpu.memory_space<hbm>> -> memref<160xf32, #tpu.memory_space<hbm>>
      %dma_wait3A_624 = arith.constant 0 : i32
      %dma_wait3A_625 = tpu.memref_slice %arg6[%dma_wait3A_624] : memref<640xf32, #tpu.memory_space<vmem>> -> memref<160xf32, #tpu.memory_space<vmem>>
      %dma_wait3A_626 = tpu.memref_slice %arg3[%mul3A_2] : memref<20000xf32, #tpu.memory_space<hbm>> -> memref<160xf32, #tpu.memory_space<hbm>>
      tpu.wait_dma2 semaphore(%arg16 : memref<!tpu.dma_semaphore, #tpu.memory_space<semaphore_mem>>) src(%dma_wait3A_626 : memref<160xf32, #tpu.memory_space<hbm>>) dst(%dma_wait3A_625 : memref<160xf32, #tpu.memory_space<vmem>>)
    } else {
    }
    %get3A = arith.constant 0 : index
    %get3A_142 = tpu.vector_load %arg5[%get3A] {strides = array<i32>} : memref<640xf32, #tpu.memory_space<vmem>>, vector<16xf32>,
    %get3A_143 = arith.constant 0 : index
    %get3A_144 = tpu.vector_load %arg6[%get3A_143] {strides = array<i32>} : memref<640xf32, #tpu.memory_space<vmem>>, vector<16xf32>,
    %mul3A_145 = arith.constant 1.280000e+02 : f32
    %mul3A_146 = vector.broadcast %mul3A_145 : f32 to vector<16xf32>
    %mul3A_147 = arith.mulf %get3A_142, %mul3A_146 : vector<16xf32>
    %add3A_148 = arith.addf %mul3A_147, %get3A_144 : vector<16xf32>
    %convert_element_type3A_149 = arith.fptosi %add3A_148 : vector<16xf32> to vector<16xi32>
    %swap3A_150 = arith.constant 0 : index
    %swap3A_151 = tpu.vector_load %arg7[%swap3A_150] {strides = array<i32>} : memref<128xi32, #tpu.memory_space<vmem>>, vector<16xi32>,
    tpu.vector_store %arg7[%swap3A_150], %convert_element_type3A_149 {strides = array<i32>} : memref<128xi32, #tpu.memory_space<vmem>>, vector<16xi32>,
    %get3A_152 = arith.constant 16 : index
    %get3A_153 = tpu.vector_load %arg5[%get3A_152] {strides = array<i32>} : memref<640xf32, #tpu.memory_space<vmem>>, vector<16xf32>,
    %get3A_154 = arith.constant 16 : index
    %get3A_155 = tpu.vector_load %arg6[%get3A_154] {strides = array<i32>} : memref<640xf32, #tpu.memory_space<vmem>>, vector<16xf32>,
    %mul3A_156 = arith.constant 1.280000e+02 : f32
    %mul3A_157 = vector.broadcast %mul3A_156 : f32 to vector<16xf32>
    %mul3A_158 = arith.mulf %get3A_153, %mul3A_157 : vector<16xf32>
    %add3A_159 = arith.addf %mul3A_158, %get3A_155 : vector<16xf32>
    %convert_element_type3A_160 = arith.fptosi %add3A_159 : vector<16xf32> to vector<16xi32>
    %swap3A_161 = arith.constant 16 : index
    %swap3A_162 = tpu.vector_load %arg7[%swap3A_161] {strides = array<i32>} : memref<128xi32, #tpu.memory_space<vmem>>, vector<16xi32>,
    tpu.vector_store %arg7[%swap3A_161], %convert_element_type3A_160 {strides = array<i32>} : memref<128xi32, #tpu.memory_space<vmem>>, vector<16xi32>,
    %get3A_163 = arith.constant 32 : index
    %get3A_164 = tpu.vector_load %arg5[%get3A_163] {strides = array<i32>} : memref<640xf32, #tpu.memory_space<vmem>>, vector<16xf32>,
    %get3A_165 = arith.constant 32 : index
    %get3A_166 = tpu.vector_load %arg6[%get3A_165] {strides = array<i32>} : memref<640xf32, #tpu.memory_space<vmem>>, vector<16xf32>,
    %mul3A_167 = arith.constant 1.280000e+02 : f32
    %mul3A_168 = vector.broadcast %mul3A_167 : f32 to vector<16xf32>
    %mul3A_169 = arith.mulf %get3A_164, %mul3A_168 : vector<16xf32>
    %add3A_170 = arith.addf %mul3A_169, %get3A_166 : vector<16xf32>
    %convert_element_type3A_171 = arith.fptosi %add3A_170 : vector<16xf32> to vector<16xi32>
    %swap3A_172 = arith.constant 32 : index
    %swap3A_173 = tpu.vector_load %arg7[%swap3A_172] {strides = array<i32>} : memref<128xi32, #tpu.memory_space<vmem>>, vector<16xi32>,
    tpu.vector_store %arg7[%swap3A_172], %convert_element_type3A_171 {strides = array<i32>} : memref<128xi32, #tpu.memory_space<vmem>>, vector<16xi32>,
    %get3A_174 = arith.constant 48 : index
    %get3A_175 = tpu.vector_load %arg5[%get3A_174] {strides = array<i32>} : memref<640xf32, #tpu.memory_space<vmem>>, vector<16xf32>,
    %get3A_176 = arith.constant 48 : index
    %get3A_177 = tpu.vector_load %arg6[%get3A_176] {strides = array<i32>} : memref<640xf32, #tpu.memory_space<vmem>>, vector<16xf32>,
    %mul3A_178 = arith.constant 1.280000e+02 : f32
    %mul3A_179 = vector.broadcast %mul3A_178 : f32 to vector<16xf32>
    %mul3A_180 = arith.mulf %get3A_175, %mul3A_179 : vector<16xf32>
    %add3A_181 = arith.addf %mul3A_180, %get3A_177 : vector<16xf32>
    %convert_element_type3A_182 = arith.fptosi %add3A_181 : vector<16xf32> to vector<16xi32>
    %swap3A_183 = arith.constant 48 : index
    %swap3A_184 = tpu.vector_load %arg7[%swap3A_183] {strides = array<i32>} : memref<128xi32, #tpu.memory_space<vmem>>, vector<16xi32>,
    tpu.vector_store %arg7[%swap3A_183], %convert_element_type3A_182 {strides = array<i32>} : memref<128xi32, #tpu.memory_space<vmem>>, vector<16xi32>,
    %get3A_185 = arith.constant 64 : index
    %get3A_186 = tpu.vector_load %arg5[%get3A_185] {strides = array<i32>} : memref<640xf32, #tpu.memory_space<vmem>>, vector<16xf32>,
    %get3A_187 = arith.constant 64 : index
    %get3A_188 = tpu.vector_load %arg6[%get3A_187] {strides = array<i32>} : memref<640xf32, #tpu.memory_space<vmem>>, vector<16xf32>,
    %mul3A_189 = arith.constant 1.280000e+02 : f32
    %mul3A_190 = vector.broadcast %mul3A_189 : f32 to vector<16xf32>
    %mul3A_191 = arith.mulf %get3A_186, %mul3A_190 : vector<16xf32>
    %add3A_192 = arith.addf %mul3A_191, %get3A_188 : vector<16xf32>
    %convert_element_type3A_193 = arith.fptosi %add3A_192 : vector<16xf32> to vector<16xi32>
    %swap3A_194 = arith.constant 64 : index
    %swap3A_195 = tpu.vector_load %arg7[%swap3A_194] {strides = array<i32>} : memref<128xi32, #tpu.memory_space<vmem>>, vector<16xi32>,
    tpu.vector_store %arg7[%swap3A_194], %convert_element_type3A_193 {strides = array<i32>} : memref<128xi32, #tpu.memory_space<vmem>>, vector<16xi32>,
    %get3A_196 = arith.constant 80 : index
    %get3A_197 = tpu.vector_load %arg5[%get3A_196] {strides = array<i32>} : memref<640xf32, #tpu.memory_space<vmem>>, vector<16xf32>,
    %get3A_198 = arith.constant 80 : index
    %get3A_199 = tpu.vector_load %arg6[%get3A_198] {strides = array<i32>} : memref<640xf32, #tpu.memory_space<vmem>>, vector<16xf32>,
    %mul3A_200 = arith.constant 1.280000e+02 : f32
    %mul3A_201 = vector.broadcast %mul3A_200 : f32 to vector<16xf32>
    %mul3A_202 = arith.mulf %get3A_197, %mul3A_201 : vector<16xf32>
    %add3A_203 = arith.addf %mul3A_202, %get3A_199 : vector<16xf32>
    %convert_element_type3A_204 = arith.fptosi %add3A_203 : vector<16xf32> to vector<16xi32>
    %swap3A_205 = arith.constant 80 : index
    %swap3A_206 = tpu.vector_load %arg7[%swap3A_205] {strides = array<i32>} : memref<128xi32, #tpu.memory_space<vmem>>, vector<16xi32>,
    tpu.vector_store %arg7[%swap3A_205], %convert_element_type3A_204 {strides = array<i32>} : memref<128xi32, #tpu.memory_space<vmem>>, vector<16xi32>,
    %get3A_207 = arith.constant 96 : index
    %get3A_208 = tpu.vector_load %arg5[%get3A_207] {strides = array<i32>} : memref<640xf32, #tpu.memory_space<vmem>>, vector<16xf32>,
    %get3A_209 = arith.constant 96 : index
    %get3A_210 = tpu.vector_load %arg6[%get3A_209] {strides = array<i32>} : memref<640xf32, #tpu.memory_space<vmem>>, vector<16xf32>,
    %mul3A_211 = arith.constant 1.280000e+02 : f32
    %mul3A_212 = vector.broadcast %mul3A_211 : f32 to vector<16xf32>
    %mul3A_213 = arith.mulf %get3A_208, %mul3A_212 : vector<16xf32>
    %add3A_214 = arith.addf %mul3A_213, %get3A_210 : vector<16xf32>
    %convert_element_type3A_215 = arith.fptosi %add3A_214 : vector<16xf32> to vector<16xi32>
    %swap3A_216 = arith.constant 96 : index
    %swap3A_217 = tpu.vector_load %arg7[%swap3A_216] {strides = array<i32>} : memref<128xi32, #tpu.memory_space<vmem>>, vector<16xi32>,
    tpu.vector_store %arg7[%swap3A_216], %convert_element_type3A_215 {strides = array<i32>} : memref<128xi32, #tpu.memory_space<vmem>>, vector<16xi32>,
    %get3A_218 = arith.constant 112 : index
    %get3A_219 = tpu.vector_load %arg5[%get3A_218] {strides = array<i32>} : memref<640xf32, #tpu.memory_space<vmem>>, vector<16xf32>,
    %get3A_220 = arith.constant 112 : index
    %get3A_221 = tpu.vector_load %arg6[%get3A_220] {strides = array<i32>} : memref<640xf32, #tpu.memory_space<vmem>>, vector<16xf32>,
    %mul3A_222 = arith.constant 1.280000e+02 : f32
    %mul3A_223 = vector.broadcast %mul3A_222 : f32 to vector<16xf32>
    %mul3A_224 = arith.mulf %get3A_219, %mul3A_223 : vector<16xf32>
    %add3A_225 = arith.addf %mul3A_224, %get3A_221 : vector<16xf32>
    %convert_element_type3A_226 = arith.fptosi %add3A_225 : vector<16xf32> to vector<16xi32>
    %swap3A_227 = arith.constant 112 : index
    %swap3A_228 = tpu.vector_load %arg7[%swap3A_227] {strides = array<i32>} : memref<128xi32, #tpu.memory_space<vmem>>, vector<16xi32>,
    tpu.vector_store %arg7[%swap3A_227], %convert_element_type3A_226 {strides = array<i32>} : memref<128xi32, #tpu.memory_space<vmem>>, vector<16xi32>,
    %get3A_229 = arith.constant 128 : index
    %get3A_230 = tpu.vector_load %arg5[%get3A_229] {strides = array<i32>} : memref<640xf32, #tpu.memory_space<vmem>>, vector<16xf32>,
    %get3A_231 = arith.constant 128 : index
    %get3A_232 = tpu.vector_load %arg6[%get3A_231] {strides = array<i32>} : memref<640xf32, #tpu.memory_space<vmem>>, vector<16xf32>,
    %mul3A_233 = arith.constant 1.280000e+02 : f32
    %mul3A_234 = vector.broadcast %mul3A_233 : f32 to vector<16xf32>
    %mul3A_235 = arith.mulf %get3A_230, %mul3A_234 : vector<16xf32>
    %add3A_236 = arith.addf %mul3A_235, %get3A_232 : vector<16xf32>
    %convert_element_type3A_237 = arith.fptosi %add3A_236 : vector<16xf32> to vector<16xi32>
    %swap3A_238 = arith.constant 0 : index
    %swap3A_239 = tpu.vector_load %arg8[%swap3A_238] {strides = array<i32>} : memref<128xi32, #tpu.memory_space<vmem>>, vector<16xi32>,
    tpu.vector_store %arg8[%swap3A_238], %convert_element_type3A_237 {strides = array<i32>} : memref<128xi32, #tpu.memory_space<vmem>>, vector<16xi32>,
    %get3A_240 = arith.constant 144 : index
    %get3A_241 = tpu.vector_load %arg5[%get3A_240] {strides = array<i32>} : memref<640xf32, #tpu.memory_space<vmem>>, vector<16xf32>,
    %get3A_242 = arith.constant 144 : index
    %get3A_243 = tpu.vector_load %arg6[%get3A_242] {strides = array<i32>} : memref<640xf32, #tpu.memory_space<vmem>>, vector<16xf32>,
    %mul3A_244 = arith.constant 1.280000e+02 : f32
    %mul3A_245 = vector.broadcast %mul3A_244 : f32 to vector<16xf32>
    %mul3A_246 = arith.mulf %get3A_241, %mul3A_245 : vector<16xf32>
    %add3A_247 = arith.addf %mul3A_246, %get3A_243 : vector<16xf32>
    %convert_element_type3A_248 = arith.fptosi %add3A_247 : vector<16xf32> to vector<16xi32>
    %swap3A_249 = arith.constant 16 : index
    %swap3A_250 = tpu.vector_load %arg8[%swap3A_249] {strides = array<i32>} : memref<128xi32, #tpu.memory_space<vmem>>, vector<16xi32>,
    tpu.vector_store %arg8[%swap3A_249], %convert_element_type3A_248 {strides = array<i32>} : memref<128xi32, #tpu.memory_space<vmem>>, vector<16xi32>,
    %get3A_251 = arith.constant 160 : index
    %get3A_252 = tpu.vector_load %arg5[%get3A_251] {strides = array<i32>} : memref<640xf32, #tpu.memory_space<vmem>>, vector<16xf32>,
    %get3A_253 = arith.constant 160 : index
    %get3A_254 = tpu.vector_load %arg6[%get3A_253] {strides = array<i32>} : memref<640xf32, #tpu.memory_space<vmem>>, vector<16xf32>,
    %mul3A_255 = arith.constant 1.280000e+02 : f32
    %mul3A_256 = vector.broadcast %mul3A_255 : f32 to vector<16xf32>
    %mul3A_257 = arith.mulf %get3A_252, %mul3A_256 : vector<16xf32>
    %add3A_258 = arith.addf %mul3A_257, %get3A_254 : vector<16xf32>
    %convert_element_type3A_259 = arith.fptosi %add3A_258 : vector<16xf32> to vector<16xi32>
    %swap3A_260 = arith.constant 32 : index
    %swap3A_261 = tpu.vector_load %arg8[%swap3A_260] {strides = array<i32>} : memref<128xi32, #tpu.memory_space<vmem>>, vector<16xi32>,
    tpu.vector_store %arg8[%swap3A_260], %convert_element_type3A_259 {strides = array<i32>} : memref<128xi32, #tpu.memory_space<vmem>>, vector<16xi32>,
    %get3A_262 = arith.constant 176 : index
    %get3A_263 = tpu.vector_load %arg5[%get3A_262] {strides = array<i32>} : memref<640xf32, #tpu.memory_space<vmem>>, vector<16xf32>,
    %get3A_264 = arith.constant 176 : index
    %get3A_265 = tpu.vector_load %arg6[%get3A_264] {strides = array<i32>} : memref<640xf32, #tpu.memory_space<vmem>>, vector<16xf32>,
    %mul3A_266 = arith.constant 1.280000e+02 : f32
    %mul3A_267 = vector.broadcast %mul3A_266 : f32 to vector<16xf32>
    %mul3A_268 = arith.mulf %get3A_263, %mul3A_267 : vector<16xf32>
    %add3A_269 = arith.addf %mul3A_268, %get3A_265 : vector<16xf32>
    %convert_element_type3A_270 = arith.fptosi %add3A_269 : vector<16xf32> to vector<16xi32>
    %swap3A_271 = arith.constant 48 : index
    %swap3A_272 = tpu.vector_load %arg8[%swap3A_271] {strides = array<i32>} : memref<128xi32, #tpu.memory_space<vmem>>, vector<16xi32>,
    tpu.vector_store %arg8[%swap3A_271], %convert_element_type3A_270 {strides = array<i32>} : memref<128xi32, #tpu.memory_space<vmem>>, vector<16xi32>,
    %get3A_273 = arith.constant 192 : index
    %get3A_274 = tpu.vector_load %arg5[%get3A_273] {strides = array<i32>} : memref<640xf32, #tpu.memory_space<vmem>>, vector<16xf32>,
    %get3A_275 = arith.constant 192 : index
    %get3A_276 = tpu.vector_load %arg6[%get3A_275] {strides = array<i32>} : memref<640xf32, #tpu.memory_space<vmem>>, vector<16xf32>,
    %mul3A_277 = arith.constant 1.280000e+02 : f32
    %mul3A_278 = vector.broadcast %mul3A_277 : f32 to vector<16xf32>
    %mul3A_279 = arith.mulf %get3A_274, %mul3A_278 : vector<16xf32>
    %add3A_280 = arith.addf %mul3A_279, %get3A_276 : vector<16xf32>
    %convert_element_type3A_281 = arith.fptosi %add3A_280 : vector<16xf32> to vector<16xi32>
    %swap3A_282 = arith.constant 64 : index
    %swap3A_283 = tpu.vector_load %arg8[%swap3A_282] {strides = array<i32>} : memref<128xi32, #tpu.memory_space<vmem>>, vector<16xi32>,
    tpu.vector_store %arg8[%swap3A_282], %convert_element_type3A_281 {strides = array<i32>} : memref<128xi32, #tpu.memory_space<vmem>>, vector<16xi32>,
    %get3A_284 = arith.constant 208 : index
    %get3A_285 = tpu.vector_load %arg5[%get3A_284] {strides = array<i32>} : memref<640xf32, #tpu.memory_space<vmem>>, vector<16xf32>,
    %get3A_286 = arith.constant 208 : index
    %get3A_287 = tpu.vector_load %arg6[%get3A_286] {strides = array<i32>} : memref<640xf32, #tpu.memory_space<vmem>>, vector<16xf32>,
    %mul3A_288 = arith.constant 1.280000e+02 : f32
    %mul3A_289 = vector.broadcast %mul3A_288 : f32 to vector<16xf32>
    %mul3A_290 = arith.mulf %get3A_285, %mul3A_289 : vector<16xf32>
    %add3A_291 = arith.addf %mul3A_290, %get3A_287 : vector<16xf32>
    %convert_element_type3A_292 = arith.fptosi %add3A_291 : vector<16xf32> to vector<16xi32>
    %swap3A_293 = arith.constant 80 : index
    %swap3A_294 = tpu.vector_load %arg8[%swap3A_293] {strides = array<i32>} : memref<128xi32, #tpu.memory_space<vmem>>, vector<16xi32>,
    tpu.vector_store %arg8[%swap3A_293], %convert_element_type3A_292 {strides = array<i32>} : memref<128xi32, #tpu.memory_space<vmem>>, vector<16xi32>,
    %get3A_295 = arith.constant 224 : index
    %get3A_296 = tpu.vector_load %arg5[%get3A_295] {strides = array<i32>} : memref<640xf32, #tpu.memory_space<vmem>>, vector<16xf32>,
    %get3A_297 = arith.constant 224 : index
    %get3A_298 = tpu.vector_load %arg6[%get3A_297] {strides = array<i32>} : memref<640xf32, #tpu.memory_space<vmem>>, vector<16xf32>,
    %mul3A_299 = arith.constant 1.280000e+02 : f32
    %mul3A_300 = vector.broadcast %mul3A_299 : f32 to vector<16xf32>
    %mul3A_301 = arith.mulf %get3A_296, %mul3A_300 : vector<16xf32>
    %add3A_302 = arith.addf %mul3A_301, %get3A_298 : vector<16xf32>
    %convert_element_type3A_303 = arith.fptosi %add3A_302 : vector<16xf32> to vector<16xi32>
    %swap3A_304 = arith.constant 96 : index
    %swap3A_305 = tpu.vector_load %arg8[%swap3A_304] {strides = array<i32>} : memref<128xi32, #tpu.memory_space<vmem>>, vector<16xi32>,
    tpu.vector_store %arg8[%swap3A_304], %convert_element_type3A_303 {strides = array<i32>} : memref<128xi32, #tpu.memory_space<vmem>>, vector<16xi32>,
    %get3A_306 = arith.constant 240 : index
    %get3A_307 = tpu.vector_load %arg5[%get3A_306] {strides = array<i32>} : memref<640xf32, #tpu.memory_space<vmem>>, vector<16xf32>,
    %get3A_308 = arith.constant 240 : index
    %get3A_309 = tpu.vector_load %arg6[%get3A_308] {strides = array<i32>} : memref<640xf32, #tpu.memory_space<vmem>>, vector<16xf32>,
    %mul3A_310 = arith.constant 1.280000e+02 : f32
    %mul3A_311 = vector.broadcast %mul3A_310 : f32 to vector<16xf32>
    %mul3A_312 = arith.mulf %get3A_307, %mul3A_311 : vector<16xf32>
    %add3A_313 = arith.addf %mul3A_312, %get3A_309 : vector<16xf32>
    %convert_element_type3A_314 = arith.fptosi %add3A_313 : vector<16xf32> to vector<16xi32>
    %swap3A_315 = arith.constant 112 : index
    %swap3A_316 = tpu.vector_load %arg8[%swap3A_315] {strides = array<i32>} : memref<128xi32, #tpu.memory_space<vmem>>, vector<16xi32>,
    tpu.vector_store %arg8[%swap3A_315], %convert_element_type3A_314 {strides = array<i32>} : memref<128xi32, #tpu.memory_space<vmem>>, vector<16xi32>,
    %get3A_317 = arith.constant 256 : index
    %get3A_318 = tpu.vector_load %arg5[%get3A_317] {strides = array<i32>} : memref<640xf32, #tpu.memory_space<vmem>>, vector<16xf32>,
    %get3A_319 = arith.constant 256 : index
    %get3A_320 = tpu.vector_load %arg6[%get3A_319] {strides = array<i32>} : memref<640xf32, #tpu.memory_space<vmem>>, vector<16xf32>,
    %mul3A_321 = arith.constant 1.280000e+02 : f32
    %mul3A_322 = vector.broadcast %mul3A_321 : f32 to vector<16xf32>
    %mul3A_323 = arith.mulf %get3A_318, %mul3A_322 : vector<16xf32>
    %add3A_324 = arith.addf %mul3A_323, %get3A_320 : vector<16xf32>
    %convert_element_type3A_325 = arith.fptosi %add3A_324 : vector<16xf32> to vector<16xi32>
    %swap3A_326 = arith.constant 0 : index
    %swap3A_327 = tpu.vector_load %arg9[%swap3A_326] {strides = array<i32>} : memref<128xi32, #tpu.memory_space<vmem>>, vector<16xi32>,
    tpu.vector_store %arg9[%swap3A_326], %convert_element_type3A_325 {strides = array<i32>} : memref<128xi32, #tpu.memory_space<vmem>>, vector<16xi32>,
    %get3A_328 = arith.constant 272 : index
    %get3A_329 = tpu.vector_load %arg5[%get3A_328] {strides = array<i32>} : memref<640xf32, #tpu.memory_space<vmem>>, vector<16xf32>,
    %get3A_330 = arith.constant 272 : index
    %get3A_331 = tpu.vector_load %arg6[%get3A_330] {strides = array<i32>} : memref<640xf32, #tpu.memory_space<vmem>>, vector<16xf32>,
    %mul3A_332 = arith.constant 1.280000e+02 : f32
    %mul3A_333 = vector.broadcast %mul3A_332 : f32 to vector<16xf32>
    %mul3A_334 = arith.mulf %get3A_329, %mul3A_333 : vector<16xf32>
    %add3A_335 = arith.addf %mul3A_334, %get3A_331 : vector<16xf32>
    %convert_element_type3A_336 = arith.fptosi %add3A_335 : vector<16xf32> to vector<16xi32>
    %swap3A_337 = arith.constant 16 : index
    %swap3A_338 = tpu.vector_load %arg9[%swap3A_337] {strides = array<i32>} : memref<128xi32, #tpu.memory_space<vmem>>, vector<16xi32>,
    tpu.vector_store %arg9[%swap3A_337], %convert_element_type3A_336 {strides = array<i32>} : memref<128xi32, #tpu.memory_space<vmem>>, vector<16xi32>,
    %get3A_339 = arith.constant 288 : index
    %get3A_340 = tpu.vector_load %arg5[%get3A_339] {strides = array<i32>} : memref<640xf32, #tpu.memory_space<vmem>>, vector<16xf32>,
    %get3A_341 = arith.constant 288 : index
    %get3A_342 = tpu.vector_load %arg6[%get3A_341] {strides = array<i32>} : memref<640xf32, #tpu.memory_space<vmem>>, vector<16xf32>,
    %mul3A_343 = arith.constant 1.280000e+02 : f32
    %mul3A_344 = vector.broadcast %mul3A_343 : f32 to vector<16xf32>
    %mul3A_345 = arith.mulf %get3A_340, %mul3A_344 : vector<16xf32>
    %add3A_346 = arith.addf %mul3A_345, %get3A_342 : vector<16xf32>
    %convert_element_type3A_347 = arith.fptosi %add3A_346 : vector<16xf32> to vector<16xi32>
    %swap3A_348 = arith.constant 32 : index
    %swap3A_349 = tpu.vector_load %arg9[%swap3A_348] {strides = array<i32>} : memref<128xi32, #tpu.memory_space<vmem>>, vector<16xi32>,
    tpu.vector_store %arg9[%swap3A_348], %convert_element_type3A_347 {strides = array<i32>} : memref<128xi32, #tpu.memory_space<vmem>>, vector<16xi32>,
    %get3A_350 = arith.constant 304 : index
    %get3A_351 = tpu.vector_load %arg5[%get3A_350] {strides = array<i32>} : memref<640xf32, #tpu.memory_space<vmem>>, vector<16xf32>,
    %get3A_352 = arith.constant 304 : index
    %get3A_353 = tpu.vector_load %arg6[%get3A_352] {strides = array<i32>} : memref<640xf32, #tpu.memory_space<vmem>>, vector<16xf32>,
    %mul3A_354 = arith.constant 1.280000e+02 : f32
    %mul3A_355 = vector.broadcast %mul3A_354 : f32 to vector<16xf32>
    %mul3A_356 = arith.mulf %get3A_351, %mul3A_355 : vector<16xf32>
    %add3A_357 = arith.addf %mul3A_356, %get3A_353 : vector<16xf32>
    %convert_element_type3A_358 = arith.fptosi %add3A_357 : vector<16xf32> to vector<16xi32>
    %swap3A_359 = arith.constant 48 : index
    %swap3A_360 = tpu.vector_load %arg9[%swap3A_359] {strides = array<i32>} : memref<128xi32, #tpu.memory_space<vmem>>, vector<16xi32>,
    tpu.vector_store %arg9[%swap3A_359], %convert_element_type3A_358 {strides = array<i32>} : memref<128xi32, #tpu.memory_space<vmem>>, vector<16xi32>,
    %get3A_361 = arith.constant 320 : index
    %get3A_362 = tpu.vector_load %arg5[%get3A_361] {strides = array<i32>} : memref<640xf32, #tpu.memory_space<vmem>>, vector<16xf32>,
    %get3A_363 = arith.constant 320 : index
    %get3A_364 = tpu.vector_load %arg6[%get3A_363] {strides = array<i32>} : memref<640xf32, #tpu.memory_space<vmem>>, vector<16xf32>,
    %mul3A_365 = arith.constant 1.280000e+02 : f32
    %mul3A_366 = vector.broadcast %mul3A_365 : f32 to vector<16xf32>
    %mul3A_367 = arith.mulf %get3A_362, %mul3A_366 : vector<16xf32>
    %add3A_368 = arith.addf %mul3A_367, %get3A_364 : vector<16xf32>
    %convert_element_type3A_369 = arith.fptosi %add3A_368 : vector<16xf32> to vector<16xi32>
    %swap3A_370 = arith.constant 64 : index
    %swap3A_371 = tpu.vector_load %arg9[%swap3A_370] {strides = array<i32>} : memref<128xi32, #tpu.memory_space<vmem>>, vector<16xi32>,
    tpu.vector_store %arg9[%swap3A_370], %convert_element_type3A_369 {strides = array<i32>} : memref<128xi32, #tpu.memory_space<vmem>>, vector<16xi32>,
    %get3A_372 = arith.constant 336 : index
    %get3A_373 = tpu.vector_load %arg5[%get3A_372] {strides = array<i32>} : memref<640xf32, #tpu.memory_space<vmem>>, vector<16xf32>,
    %get3A_374 = arith.constant 336 : index
    %get3A_375 = tpu.vector_load %arg6[%get3A_374] {strides = array<i32>} : memref<640xf32, #tpu.memory_space<vmem>>, vector<16xf32>,
    %mul3A_376 = arith.constant 1.280000e+02 : f32
    %mul3A_377 = vector.broadcast %mul3A_376 : f32 to vector<16xf32>
    %mul3A_378 = arith.mulf %get3A_373, %mul3A_377 : vector<16xf32>
    %add3A_379 = arith.addf %mul3A_378, %get3A_375 : vector<16xf32>
    %convert_element_type3A_380 = arith.fptosi %add3A_379 : vector<16xf32> to vector<16xi32>
    %swap3A_381 = arith.constant 80 : index
    %swap3A_382 = tpu.vector_load %arg9[%swap3A_381] {strides = array<i32>} : memref<128xi32, #tpu.memory_space<vmem>>, vector<16xi32>,
    tpu.vector_store %arg9[%swap3A_381], %convert_element_type3A_380 {strides = array<i32>} : memref<128xi32, #tpu.memory_space<vmem>>, vector<16xi32>,
    %get3A_383 = arith.constant 352 : index
    %get3A_384 = tpu.vector_load %arg5[%get3A_383] {strides = array<i32>} : memref<640xf32, #tpu.memory_space<vmem>>, vector<16xf32>,
    %get3A_385 = arith.constant 352 : index
    %get3A_386 = tpu.vector_load %arg6[%get3A_385] {strides = array<i32>} : memref<640xf32, #tpu.memory_space<vmem>>, vector<16xf32>,
    %mul3A_387 = arith.constant 1.280000e+02 : f32
    %mul3A_388 = vector.broadcast %mul3A_387 : f32 to vector<16xf32>
    %mul3A_389 = arith.mulf %get3A_384, %mul3A_388 : vector<16xf32>
    %add3A_390 = arith.addf %mul3A_389, %get3A_386 : vector<16xf32>
    %convert_element_type3A_391 = arith.fptosi %add3A_390 : vector<16xf32> to vector<16xi32>
    %swap3A_392 = arith.constant 96 : index
    %swap3A_393 = tpu.vector_load %arg9[%swap3A_392] {strides = array<i32>} : memref<128xi32, #tpu.memory_space<vmem>>, vector<16xi32>,
    tpu.vector_store %arg9[%swap3A_392], %convert_element_type3A_391 {strides = array<i32>} : memref<128xi32, #tpu.memory_space<vmem>>, vector<16xi32>,
    %get3A_394 = arith.constant 368 : index
    %get3A_395 = tpu.vector_load %arg5[%get3A_394] {strides = array<i32>} : memref<640xf32, #tpu.memory_space<vmem>>, vector<16xf32>,
    %get3A_396 = arith.constant 368 : index
    %get3A_397 = tpu.vector_load %arg6[%get3A_396] {strides = array<i32>} : memref<640xf32, #tpu.memory_space<vmem>>, vector<16xf32>,
    %mul3A_398 = arith.constant 1.280000e+02 : f32
    %mul3A_399 = vector.broadcast %mul3A_398 : f32 to vector<16xf32>
    %mul3A_400 = arith.mulf %get3A_395, %mul3A_399 : vector<16xf32>
    %add3A_401 = arith.addf %mul3A_400, %get3A_397 : vector<16xf32>
    %convert_element_type3A_402 = arith.fptosi %add3A_401 : vector<16xf32> to vector<16xi32>
    %swap3A_403 = arith.constant 112 : index
    %swap3A_404 = tpu.vector_load %arg9[%swap3A_403] {strides = array<i32>} : memref<128xi32, #tpu.memory_space<vmem>>, vector<16xi32>,
    tpu.vector_store %arg9[%swap3A_403], %convert_element_type3A_402 {strides = array<i32>} : memref<128xi32, #tpu.memory_space<vmem>>, vector<16xi32>,
    %get3A_405 = arith.constant 384 : index
    %get3A_406 = tpu.vector_load %arg5[%get3A_405] {strides = array<i32>} : memref<640xf32, #tpu.memory_space<vmem>>, vector<16xf32>,
    %get3A_407 = arith.constant 384 : index
    %get3A_408 = tpu.vector_load %arg6[%get3A_407] {strides = array<i32>} : memref<640xf32, #tpu.memory_space<vmem>>, vector<16xf32>,
    %mul3A_409 = arith.constant 1.280000e+02 : f32
    %mul3A_410 = vector.broadcast %mul3A_409 : f32 to vector<16xf32>
    %mul3A_411 = arith.mulf %get3A_406, %mul3A_410 : vector<16xf32>
    %add3A_412 = arith.addf %mul3A_411, %get3A_408 : vector<16xf32>
    %convert_element_type3A_413 = arith.fptosi %add3A_412 : vector<16xf32> to vector<16xi32>
    %swap3A_414 = arith.constant 0 : index
    %swap3A_415 = tpu.vector_load %arg10[%swap3A_414] {strides = array<i32>} : memref<128xi32, #tpu.memory_space<vmem>>, vector<16xi32>,
    tpu.vector_store %arg10[%swap3A_414], %convert_element_type3A_413 {strides = array<i32>} : memref<128xi32, #tpu.memory_space<vmem>>, vector<16xi32>,
    %get3A_416 = arith.constant 400 : index
    %get3A_417 = tpu.vector_load %arg5[%get3A_416] {strides = array<i32>} : memref<640xf32, #tpu.memory_space<vmem>>, vector<16xf32>,
    %get3A_418 = arith.constant 400 : index
    %get3A_419 = tpu.vector_load %arg6[%get3A_418] {strides = array<i32>} : memref<640xf32, #tpu.memory_space<vmem>>, vector<16xf32>,
    %mul3A_420 = arith.constant 1.280000e+02 : f32
    %mul3A_421 = vector.broadcast %mul3A_420 : f32 to vector<16xf32>
    %mul3A_422 = arith.mulf %get3A_417, %mul3A_421 : vector<16xf32>
    %add3A_423 = arith.addf %mul3A_422, %get3A_419 : vector<16xf32>
    %convert_element_type3A_424 = arith.fptosi %add3A_423 : vector<16xf32> to vector<16xi32>
    %swap3A_425 = arith.constant 16 : index
    %swap3A_426 = tpu.vector_load %arg10[%swap3A_425] {strides = array<i32>} : memref<128xi32, #tpu.memory_space<vmem>>, vector<16xi32>,
    tpu.vector_store %arg10[%swap3A_425], %convert_element_type3A_424 {strides = array<i32>} : memref<128xi32, #tpu.memory_space<vmem>>, vector<16xi32>,
    %get3A_427 = arith.constant 416 : index
    %get3A_428 = tpu.vector_load %arg5[%get3A_427] {strides = array<i32>} : memref<640xf32, #tpu.memory_space<vmem>>, vector<16xf32>,
    %get3A_429 = arith.constant 416 : index
    %get3A_430 = tpu.vector_load %arg6[%get3A_429] {strides = array<i32>} : memref<640xf32, #tpu.memory_space<vmem>>, vector<16xf32>,
    %mul3A_431 = arith.constant 1.280000e+02 : f32
    %mul3A_432 = vector.broadcast %mul3A_431 : f32 to vector<16xf32>
    %mul3A_433 = arith.mulf %get3A_428, %mul3A_432 : vector<16xf32>
    %add3A_434 = arith.addf %mul3A_433, %get3A_430 : vector<16xf32>
    %convert_element_type3A_435 = arith.fptosi %add3A_434 : vector<16xf32> to vector<16xi32>
    %swap3A_436 = arith.constant 32 : index
    %swap3A_437 = tpu.vector_load %arg10[%swap3A_436] {strides = array<i32>} : memref<128xi32, #tpu.memory_space<vmem>>, vector<16xi32>,
    tpu.vector_store %arg10[%swap3A_436], %convert_element_type3A_435 {strides = array<i32>} : memref<128xi32, #tpu.memory_space<vmem>>, vector<16xi32>,
    %get3A_438 = arith.constant 432 : index
    %get3A_439 = tpu.vector_load %arg5[%get3A_438] {strides = array<i32>} : memref<640xf32, #tpu.memory_space<vmem>>, vector<16xf32>,
    %get3A_440 = arith.constant 432 : index
    %get3A_441 = tpu.vector_load %arg6[%get3A_440] {strides = array<i32>} : memref<640xf32, #tpu.memory_space<vmem>>, vector<16xf32>,
    %mul3A_442 = arith.constant 1.280000e+02 : f32
    %mul3A_443 = vector.broadcast %mul3A_442 : f32 to vector<16xf32>
    %mul3A_444 = arith.mulf %get3A_439, %mul3A_443 : vector<16xf32>
    %add3A_445 = arith.addf %mul3A_444, %get3A_441 : vector<16xf32>
    %convert_element_type3A_446 = arith.fptosi %add3A_445 : vector<16xf32> to vector<16xi32>
    %swap3A_447 = arith.constant 48 : index
    %swap3A_448 = tpu.vector_load %arg10[%swap3A_447] {strides = array<i32>} : memref<128xi32, #tpu.memory_space<vmem>>, vector<16xi32>,
    tpu.vector_store %arg10[%swap3A_447], %convert_element_type3A_446 {strides = array<i32>} : memref<128xi32, #tpu.memory_space<vmem>>, vector<16xi32>,
    %get3A_449 = arith.constant 448 : index
    %get3A_450 = tpu.vector_load %arg5[%get3A_449] {strides = array<i32>} : memref<640xf32, #tpu.memory_space<vmem>>, vector<16xf32>,
    %get3A_451 = arith.constant 448 : index
    %get3A_452 = tpu.vector_load %arg6[%get3A_451] {strides = array<i32>} : memref<640xf32, #tpu.memory_space<vmem>>, vector<16xf32>,
    %mul3A_453 = arith.constant 1.280000e+02 : f32
    %mul3A_454 = vector.broadcast %mul3A_453 : f32 to vector<16xf32>
    %mul3A_455 = arith.mulf %get3A_450, %mul3A_454 : vector<16xf32>
    %add3A_456 = arith.addf %mul3A_455, %get3A_452 : vector<16xf32>
    %convert_element_type3A_457 = arith.fptosi %add3A_456 : vector<16xf32> to vector<16xi32>
    %swap3A_458 = arith.constant 64 : index
    %swap3A_459 = tpu.vector_load %arg10[%swap3A_458] {strides = array<i32>} : memref<128xi32, #tpu.memory_space<vmem>>, vector<16xi32>,
    tpu.vector_store %arg10[%swap3A_458], %convert_element_type3A_457 {strides = array<i32>} : memref<128xi32, #tpu.memory_space<vmem>>, vector<16xi32>,
    %get3A_460 = arith.constant 464 : index
    %get3A_461 = tpu.vector_load %arg5[%get3A_460] {strides = array<i32>} : memref<640xf32, #tpu.memory_space<vmem>>, vector<16xf32>,
    %get3A_462 = arith.constant 464 : index
    %get3A_463 = tpu.vector_load %arg6[%get3A_462] {strides = array<i32>} : memref<640xf32, #tpu.memory_space<vmem>>, vector<16xf32>,
    %mul3A_464 = arith.constant 1.280000e+02 : f32
    %mul3A_465 = vector.broadcast %mul3A_464 : f32 to vector<16xf32>
    %mul3A_466 = arith.mulf %get3A_461, %mul3A_465 : vector<16xf32>
    %add3A_467 = arith.addf %mul3A_466, %get3A_463 : vector<16xf32>
    %convert_element_type3A_468 = arith.fptosi %add3A_467 : vector<16xf32> to vector<16xi32>
    %swap3A_469 = arith.constant 80 : index
    %swap3A_470 = tpu.vector_load %arg10[%swap3A_469] {strides = array<i32>} : memref<128xi32, #tpu.memory_space<vmem>>, vector<16xi32>,
    tpu.vector_store %arg10[%swap3A_469], %convert_element_type3A_468 {strides = array<i32>} : memref<128xi32, #tpu.memory_space<vmem>>, vector<16xi32>,
    %get3A_471 = arith.constant 480 : index
    %get3A_472 = tpu.vector_load %arg5[%get3A_471] {strides = array<i32>} : memref<640xf32, #tpu.memory_space<vmem>>, vector<16xf32>,
    %get3A_473 = arith.constant 480 : index
    %get3A_474 = tpu.vector_load %arg6[%get3A_473] {strides = array<i32>} : memref<640xf32, #tpu.memory_space<vmem>>, vector<16xf32>,
    %mul3A_475 = arith.constant 1.280000e+02 : f32
    %mul3A_476 = vector.broadcast %mul3A_475 : f32 to vector<16xf32>
    %mul3A_477 = arith.mulf %get3A_472, %mul3A_476 : vector<16xf32>
    %add3A_478 = arith.addf %mul3A_477, %get3A_474 : vector<16xf32>
    %convert_element_type3A_479 = arith.fptosi %add3A_478 : vector<16xf32> to vector<16xi32>
    %swap3A_480 = arith.constant 96 : index
    %swap3A_481 = tpu.vector_load %arg10[%swap3A_480] {strides = array<i32>} : memref<128xi32, #tpu.memory_space<vmem>>, vector<16xi32>,
    tpu.vector_store %arg10[%swap3A_480], %convert_element_type3A_479 {strides = array<i32>} : memref<128xi32, #tpu.memory_space<vmem>>, vector<16xi32>,
    %get3A_482 = arith.constant 496 : index
    %get3A_483 = tpu.vector_load %arg5[%get3A_482] {strides = array<i32>} : memref<640xf32, #tpu.memory_space<vmem>>, vector<16xf32>,
    %get3A_484 = arith.constant 496 : index
    %get3A_485 = tpu.vector_load %arg6[%get3A_484] {strides = array<i32>} : memref<640xf32, #tpu.memory_space<vmem>>, vector<16xf32>,
    %mul3A_486 = arith.constant 1.280000e+02 : f32
    %mul3A_487 = vector.broadcast %mul3A_486 : f32 to vector<16xf32>
    %mul3A_488 = arith.mulf %get3A_483, %mul3A_487 : vector<16xf32>
    %add3A_489 = arith.addf %mul3A_488, %get3A_485 : vector<16xf32>
    %convert_element_type3A_490 = arith.fptosi %add3A_489 : vector<16xf32> to vector<16xi32>
    %swap3A_491 = arith.constant 112 : index
    %swap3A_492 = tpu.vector_load %arg10[%swap3A_491] {strides = array<i32>} : memref<128xi32, #tpu.memory_space<vmem>>, vector<16xi32>,
    tpu.vector_store %arg10[%swap3A_491], %convert_element_type3A_490 {strides = array<i32>} : memref<128xi32, #tpu.memory_space<vmem>>, vector<16xi32>,
    %get3A_493 = arith.constant 512 : index
    %get3A_494 = tpu.vector_load %arg5[%get3A_493] {strides = array<i32>} : memref<640xf32, #tpu.memory_space<vmem>>, vector<16xf32>,
    %get3A_495 = arith.constant 512 : index
    %get3A_496 = tpu.vector_load %arg6[%get3A_495] {strides = array<i32>} : memref<640xf32, #tpu.memory_space<vmem>>, vector<16xf32>,
    %mul3A_497 = arith.constant 1.280000e+02 : f32
    %mul3A_498 = vector.broadcast %mul3A_497 : f32 to vector<16xf32>
    %mul3A_499 = arith.mulf %get3A_494, %mul3A_498 : vector<16xf32>
    %add3A_500 = arith.addf %mul3A_499, %get3A_496 : vector<16xf32>
    %convert_element_type3A_501 = arith.fptosi %add3A_500 : vector<16xf32> to vector<16xi32>
    %swap3A_502 = arith.constant 0 : index
    %swap3A_503 = tpu.vector_load %arg11[%swap3A_502] {strides = array<i32>} : memref<128xi32, #tpu.memory_space<vmem>>, vector<16xi32>,
    tpu.vector_store %arg11[%swap3A_502], %convert_element_type3A_501 {strides = array<i32>} : memref<128xi32, #tpu.memory_space<vmem>>, vector<16xi32>,
    %get3A_504 = arith.constant 528 : index
    %get3A_505 = tpu.vector_load %arg5[%get3A_504] {strides = array<i32>} : memref<640xf32, #tpu.memory_space<vmem>>, vector<16xf32>,
    %get3A_506 = arith.constant 528 : index
    %get3A_507 = tpu.vector_load %arg6[%get3A_506] {strides = array<i32>} : memref<640xf32, #tpu.memory_space<vmem>>, vector<16xf32>,
    %mul3A_508 = arith.constant 1.280000e+02 : f32
    %mul3A_509 = vector.broadcast %mul3A_508 : f32 to vector<16xf32>
    %mul3A_510 = arith.mulf %get3A_505, %mul3A_509 : vector<16xf32>
    %add3A_511 = arith.addf %mul3A_510, %get3A_507 : vector<16xf32>
    %convert_element_type3A_512 = arith.fptosi %add3A_511 : vector<16xf32> to vector<16xi32>
    %swap3A_513 = arith.constant 16 : index
    %swap3A_514 = tpu.vector_load %arg11[%swap3A_513] {strides = array<i32>} : memref<128xi32, #tpu.memory_space<vmem>>, vector<16xi32>,
    tpu.vector_store %arg11[%swap3A_513], %convert_element_type3A_512 {strides = array<i32>} : memref<128xi32, #tpu.memory_space<vmem>>, vector<16xi32>,
    %get3A_515 = arith.constant 544 : index
    %get3A_516 = tpu.vector_load %arg5[%get3A_515] {strides = array<i32>} : memref<640xf32, #tpu.memory_space<vmem>>, vector<16xf32>,
    %get3A_517 = arith.constant 544 : index
    %get3A_518 = tpu.vector_load %arg6[%get3A_517] {strides = array<i32>} : memref<640xf32, #tpu.memory_space<vmem>>, vector<16xf32>,
    %mul3A_519 = arith.constant 1.280000e+02 : f32
    %mul3A_520 = vector.broadcast %mul3A_519 : f32 to vector<16xf32>
    %mul3A_521 = arith.mulf %get3A_516, %mul3A_520 : vector<16xf32>
    %add3A_522 = arith.addf %mul3A_521, %get3A_518 : vector<16xf32>
    %convert_element_type3A_523 = arith.fptosi %add3A_522 : vector<16xf32> to vector<16xi32>
    %swap3A_524 = arith.constant 32 : index
    %swap3A_525 = tpu.vector_load %arg11[%swap3A_524] {strides = array<i32>} : memref<128xi32, #tpu.memory_space<vmem>>, vector<16xi32>,
    tpu.vector_store %arg11[%swap3A_524], %convert_element_type3A_523 {strides = array<i32>} : memref<128xi32, #tpu.memory_space<vmem>>, vector<16xi32>,
    %get3A_526 = arith.constant 560 : index
    %get3A_527 = tpu.vector_load %arg5[%get3A_526] {strides = array<i32>} : memref<640xf32, #tpu.memory_space<vmem>>, vector<16xf32>,
    %get3A_528 = arith.constant 560 : index
    %get3A_529 = tpu.vector_load %arg6[%get3A_528] {strides = array<i32>} : memref<640xf32, #tpu.memory_space<vmem>>, vector<16xf32>,
    %mul3A_530 = arith.constant 1.280000e+02 : f32
    %mul3A_531 = vector.broadcast %mul3A_530 : f32 to vector<16xf32>
    %mul3A_532 = arith.mulf %get3A_527, %mul3A_531 : vector<16xf32>
    %add3A_533 = arith.addf %mul3A_532, %get3A_529 : vector<16xf32>
    %convert_element_type3A_534 = arith.fptosi %add3A_533 : vector<16xf32> to vector<16xi32>
    %swap3A_535 = arith.constant 48 : index
    %swap3A_536 = tpu.vector_load %arg11[%swap3A_535] {strides = array<i32>} : memref<128xi32, #tpu.memory_space<vmem>>, vector<16xi32>,
    tpu.vector_store %arg11[%swap3A_535], %convert_element_type3A_534 {strides = array<i32>} : memref<128xi32, #tpu.memory_space<vmem>>, vector<16xi32>,
    %get3A_537 = arith.constant 576 : index
    %get3A_538 = tpu.vector_load %arg5[%get3A_537] {strides = array<i32>} : memref<640xf32, #tpu.memory_space<vmem>>, vector<16xf32>,
    %get3A_539 = arith.constant 576 : index
    %get3A_540 = tpu.vector_load %arg6[%get3A_539] {strides = array<i32>} : memref<640xf32, #tpu.memory_space<vmem>>, vector<16xf32>,
    %mul3A_541 = arith.constant 1.280000e+02 : f32
    %mul3A_542 = vector.broadcast %mul3A_541 : f32 to vector<16xf32>
    %mul3A_543 = arith.mulf %get3A_538, %mul3A_542 : vector<16xf32>
    %add3A_544 = arith.addf %mul3A_543, %get3A_540 : vector<16xf32>
    %convert_element_type3A_545 = arith.fptosi %add3A_544 : vector<16xf32> to vector<16xi32>
    %swap3A_546 = arith.constant 64 : index
    %swap3A_547 = tpu.vector_load %arg11[%swap3A_546] {strides = array<i32>} : memref<128xi32, #tpu.memory_space<vmem>>, vector<16xi32>,
    tpu.vector_store %arg11[%swap3A_546], %convert_element_type3A_545 {strides = array<i32>} : memref<128xi32, #tpu.memory_space<vmem>>, vector<16xi32>,
    %get3A_548 = arith.constant 592 : index
    %get3A_549 = tpu.vector_load %arg5[%get3A_548] {strides = array<i32>} : memref<640xf32, #tpu.memory_space<vmem>>, vector<16xf32>,
    %get3A_550 = arith.constant 592 : index
    %get3A_551 = tpu.vector_load %arg6[%get3A_550] {strides = array<i32>} : memref<640xf32, #tpu.memory_space<vmem>>, vector<16xf32>,
    %mul3A_552 = arith.constant 1.280000e+02 : f32
    %mul3A_553 = vector.broadcast %mul3A_552 : f32 to vector<16xf32>
    %mul3A_554 = arith.mulf %get3A_549, %mul3A_553 : vector<16xf32>
    %add3A_555 = arith.addf %mul3A_554, %get3A_551 : vector<16xf32>
    %convert_element_type3A_556 = arith.fptosi %add3A_555 : vector<16xf32> to vector<16xi32>
    %swap3A_557 = arith.constant 80 : index
    %swap3A_558 = tpu.vector_load %arg11[%swap3A_557] {strides = array<i32>} : memref<128xi32, #tpu.memory_space<vmem>>, vector<16xi32>,
    tpu.vector_store %arg11[%swap3A_557], %convert_element_type3A_556 {strides = array<i32>} : memref<128xi32, #tpu.memory_space<vmem>>, vector<16xi32>,
    %get3A_559 = arith.constant 608 : index
    %get3A_560 = tpu.vector_load %arg5[%get3A_559] {strides = array<i32>} : memref<640xf32, #tpu.memory_space<vmem>>, vector<16xf32>,
    %get3A_561 = arith.constant 608 : index
    %get3A_562 = tpu.vector_load %arg6[%get3A_561] {strides = array<i32>} : memref<640xf32, #tpu.memory_space<vmem>>, vector<16xf32>,
    %mul3A_563 = arith.constant 1.280000e+02 : f32
    %mul3A_564 = vector.broadcast %mul3A_563 : f32 to vector<16xf32>
    %mul3A_565 = arith.mulf %get3A_560, %mul3A_564 : vector<16xf32>
    %add3A_566 = arith.addf %mul3A_565, %get3A_562 : vector<16xf32>
    %convert_element_type3A_567 = arith.fptosi %add3A_566 : vector<16xf32> to vector<16xi32>
    %swap3A_568 = arith.constant 96 : index
    %swap3A_569 = tpu.vector_load %arg11[%swap3A_568] {strides = array<i32>} : memref<128xi32, #tpu.memory_space<vmem>>, vector<16xi32>,
    tpu.vector_store %arg11[%swap3A_568], %convert_element_type3A_567 {strides = array<i32>} : memref<128xi32, #tpu.memory_space<vmem>>, vector<16xi32>,
    %get3A_570 = arith.constant 624 : index
    %get3A_571 = tpu.vector_load %arg5[%get3A_570] {strides = array<i32>} : memref<640xf32, #tpu.memory_space<vmem>>, vector<16xf32>,
    %get3A_572 = arith.constant 624 : index
    %get3A_573 = tpu.vector_load %arg6[%get3A_572] {strides = array<i32>} : memref<640xf32, #tpu.memory_space<vmem>>, vector<16xf32>,
    %mul3A_574 = arith.constant 1.280000e+02 : f32
    %mul3A_575 = vector.broadcast %mul3A_574 : f32 to vector<16xf32>
    %mul3A_576 = arith.mulf %get3A_571, %mul3A_575 : vector<16xf32>
    %add3A_577 = arith.addf %mul3A_576, %get3A_573 : vector<16xf32>
    %convert_element_type3A_578 = arith.fptosi %add3A_577 : vector<16xf32> to vector<16xi32>
    %swap3A_579 = arith.constant 112 : index
    %swap3A_580 = tpu.vector_load %arg11[%swap3A_579] {strides = array<i32>} : memref<128xi32, #tpu.memory_space<vmem>>, vector<16xi32>,
    tpu.vector_store %arg11[%swap3A_579], %convert_element_type3A_578 {strides = array<i32>} : memref<128xi32, #tpu.memory_space<vmem>>, vector<16xi32>,
    %eq3A_581 = arith.constant 31 : i32
    %eq3A_582 = arith.cmpi eq, %add3A, %eq3A_581 : i32
    %convert_element_type3A_583 = arith.extui %eq3A_582 : i1 to i32
    %cond3A_584 = arith.constant 0 : i32
    %cond3A_585 = arith.cmpi ne, %convert_element_type3A_583, %cond3A_584 : i32
    scf.if %cond3A_585 {
      %broadcast_in_dim3A_615 = arith.constant 12800 : i32
      %broadcast_in_dim3A_616 = vector.broadcast %broadcast_in_dim3A_615 : i32 to vector<16xi32>
      %swap3A_617 = arith.constant 32 : index
      %swap3A_618 = tpu.vector_load %arg8[%swap3A_617] {strides = array<i32>} : memref<128xi32, #tpu.memory_space<vmem>>, vector<16xi32>,
      tpu.vector_store %arg8[%swap3A_617], %broadcast_in_dim3A_616 {strides = array<i32>} : memref<128xi32, #tpu.memory_space<vmem>>, vector<16xi32>,
      %swap3A_619 = arith.constant 48 : index
      %swap3A_620 = tpu.vector_load %arg8[%swap3A_619] {strides = array<i32>} : memref<128xi32, #tpu.memory_space<vmem>>, vector<16xi32>,
      tpu.vector_store %arg8[%swap3A_619], %broadcast_in_dim3A_616 {strides = array<i32>} : memref<128xi32, #tpu.memory_space<vmem>>, vector<16xi32>,
      %swap3A_621 = arith.constant 64 : index
      %swap3A_622 = tpu.vector_load %arg8[%swap3A_621] {strides = array<i32>} : memref<128xi32, #tpu.memory_space<vmem>>, vector<16xi32>,
      tpu.vector_store %arg8[%swap3A_621], %broadcast_in_dim3A_616 {strides = array<i32>} : memref<128xi32, #tpu.memory_space<vmem>>, vector<16xi32>,
      %swap3A_623 = arith.constant 80 : index
      %swap3A_624 = tpu.vector_load %arg8[%swap3A_623] {strides = array<i32>} : memref<128xi32, #tpu.memory_space<vmem>>, vector<16xi32>,
      tpu.vector_store %arg8[%swap3A_623], %broadcast_in_dim3A_616 {strides = array<i32>} : memref<128xi32, #tpu.memory_space<vmem>>, vector<16xi32>,
      %swap3A_625 = arith.constant 96 : index
      %swap3A_626 = tpu.vector_load %arg8[%swap3A_625] {strides = array<i32>} : memref<128xi32, #tpu.memory_space<vmem>>, vector<16xi32>,
      tpu.vector_store %arg8[%swap3A_625], %broadcast_in_dim3A_616 {strides = array<i32>} : memref<128xi32, #tpu.memory_space<vmem>>, vector<16xi32>,
      %swap3A_627 = arith.constant 112 : index
      %swap3A_628 = tpu.vector_load %arg8[%swap3A_627] {strides = array<i32>} : memref<128xi32, #tpu.memory_space<vmem>>, vector<16xi32>,
      tpu.vector_store %arg8[%swap3A_627], %broadcast_in_dim3A_616 {strides = array<i32>} : memref<128xi32, #tpu.memory_space<vmem>>, vector<16xi32>,
      %swap3A_629 = arith.constant 0 : index
      %swap3A_630 = tpu.vector_load %arg9[%swap3A_629] {strides = array<i32>} : memref<128xi32, #tpu.memory_space<vmem>>, vector<16xi32>,
      tpu.vector_store %arg9[%swap3A_629], %broadcast_in_dim3A_616 {strides = array<i32>} : memref<128xi32, #tpu.memory_space<vmem>>, vector<16xi32>,
      %swap3A_631 = arith.constant 16 : index
      %swap3A_632 = tpu.vector_load %arg9[%swap3A_631] {strides = array<i32>} : memref<128xi32, #tpu.memory_space<vmem>>, vector<16xi32>,
      tpu.vector_store %arg9[%swap3A_631], %broadcast_in_dim3A_616 {strides = array<i32>} : memref<128xi32, #tpu.memory_space<vmem>>, vector<16xi32>,
      %swap3A_633 = arith.constant 32 : index
      %swap3A_634 = tpu.vector_load %arg9[%swap3A_633] {strides = array<i32>} : memref<128xi32, #tpu.memory_space<vmem>>, vector<16xi32>,
      tpu.vector_store %arg9[%swap3A_633], %broadcast_in_dim3A_616 {strides = array<i32>} : memref<128xi32, #tpu.memory_space<vmem>>, vector<16xi32>,
      %swap3A_635 = arith.constant 48 : index
      %swap3A_636 = tpu.vector_load %arg9[%swap3A_635] {strides = array<i32>} : memref<128xi32, #tpu.memory_space<vmem>>, vector<16xi32>,
      tpu.vector_store %arg9[%swap3A_635], %broadcast_in_dim3A_616 {strides = array<i32>} : memref<128xi32, #tpu.memory_space<vmem>>, vector<16xi32>,
      %swap3A_637 = arith.constant 64 : index
      %swap3A_638 = tpu.vector_load %arg9[%swap3A_637] {strides = array<i32>} : memref<128xi32, #tpu.memory_space<vmem>>, vector<16xi32>,
      tpu.vector_store %arg9[%swap3A_637], %broadcast_in_dim3A_616 {strides = array<i32>} : memref<128xi32, #tpu.memory_space<vmem>>, vector<16xi32>,
      %swap3A_639 = arith.constant 80 : index
      %swap3A_640 = tpu.vector_load %arg9[%swap3A_639] {strides = array<i32>} : memref<128xi32, #tpu.memory_space<vmem>>, vector<16xi32>,
      tpu.vector_store %arg9[%swap3A_639], %broadcast_in_dim3A_616 {strides = array<i32>} : memref<128xi32, #tpu.memory_space<vmem>>, vector<16xi32>,
      %swap3A_641 = arith.constant 96 : index
      %swap3A_642 = tpu.vector_load %arg9[%swap3A_641] {strides = array<i32>} : memref<128xi32, #tpu.memory_space<vmem>>, vector<16xi32>,
      tpu.vector_store %arg9[%swap3A_641], %broadcast_in_dim3A_616 {strides = array<i32>} : memref<128xi32, #tpu.memory_space<vmem>>, vector<16xi32>,
      %swap3A_643 = arith.constant 112 : index
      %swap3A_644 = tpu.vector_load %arg9[%swap3A_643] {strides = array<i32>} : memref<128xi32, #tpu.memory_space<vmem>>, vector<16xi32>,
      tpu.vector_store %arg9[%swap3A_643], %broadcast_in_dim3A_616 {strides = array<i32>} : memref<128xi32, #tpu.memory_space<vmem>>, vector<16xi32>,
      %swap3A_645 = arith.constant 0 : index
      %swap3A_646 = tpu.vector_load %arg10[%swap3A_645] {strides = array<i32>} : memref<128xi32, #tpu.memory_space<vmem>>, vector<16xi32>,
      tpu.vector_store %arg10[%swap3A_645], %broadcast_in_dim3A_616 {strides = array<i32>} : memref<128xi32, #tpu.memory_space<vmem>>, vector<16xi32>,
      %swap3A_647 = arith.constant 16 : index
      %swap3A_648 = tpu.vector_load %arg10[%swap3A_647] {strides = array<i32>} : memref<128xi32, #tpu.memory_space<vmem>>, vector<16xi32>,
      tpu.vector_store %arg10[%swap3A_647], %broadcast_in_dim3A_616 {strides = array<i32>} : memref<128xi32, #tpu.memory_space<vmem>>, vector<16xi32>,
      %swap3A_649 = arith.constant 32 : index
      %swap3A_650 = tpu.vector_load %arg10[%swap3A_649] {strides = array<i32>} : memref<128xi32, #tpu.memory_space<vmem>>, vector<16xi32>,
      tpu.vector_store %arg10[%swap3A_649], %broadcast_in_dim3A_616 {strides = array<i32>} : memref<128xi32, #tpu.memory_space<vmem>>, vector<16xi32>,
      %swap3A_651 = arith.constant 48 : index
      %swap3A_652 = tpu.vector_load %arg10[%swap3A_651] {strides = array<i32>} : memref<128xi32, #tpu.memory_space<vmem>>, vector<16xi32>,
      tpu.vector_store %arg10[%swap3A_651], %broadcast_in_dim3A_616 {strides = array<i32>} : memref<128xi32, #tpu.memory_space<vmem>>, vector<16xi32>,
      %swap3A_653 = arith.constant 64 : index
      %swap3A_654 = tpu.vector_load %arg10[%swap3A_653] {strides = array<i32>} : memref<128xi32, #tpu.memory_space<vmem>>, vector<16xi32>,
      tpu.vector_store %arg10[%swap3A_653], %broadcast_in_dim3A_616 {strides = array<i32>} : memref<128xi32, #tpu.memory_space<vmem>>, vector<16xi32>,
      %swap3A_655 = arith.constant 80 : index
      %swap3A_656 = tpu.vector_load %arg10[%swap3A_655] {strides = array<i32>} : memref<128xi32, #tpu.memory_space<vmem>>, vector<16xi32>,
      tpu.vector_store %arg10[%swap3A_655], %broadcast_in_dim3A_616 {strides = array<i32>} : memref<128xi32, #tpu.memory_space<vmem>>, vector<16xi32>,
      %swap3A_657 = arith.constant 96 : index
      %swap3A_658 = tpu.vector_load %arg10[%swap3A_657] {strides = array<i32>} : memref<128xi32, #tpu.memory_space<vmem>>, vector<16xi32>,
      tpu.vector_store %arg10[%swap3A_657], %broadcast_in_dim3A_616 {strides = array<i32>} : memref<128xi32, #tpu.memory_space<vmem>>, vector<16xi32>,
      %swap3A_659 = arith.constant 112 : index
      %swap3A_660 = tpu.vector_load %arg10[%swap3A_659] {strides = array<i32>} : memref<128xi32, #tpu.memory_space<vmem>>, vector<16xi32>,
      tpu.vector_store %arg10[%swap3A_659], %broadcast_in_dim3A_616 {strides = array<i32>} : memref<128xi32, #tpu.memory_space<vmem>>, vector<16xi32>,
      %swap3A_661 = arith.constant 0 : index
      %swap3A_662 = tpu.vector_load %arg11[%swap3A_661] {strides = array<i32>} : memref<128xi32, #tpu.memory_space<vmem>>, vector<16xi32>,
      tpu.vector_store %arg11[%swap3A_661], %broadcast_in_dim3A_616 {strides = array<i32>} : memref<128xi32, #tpu.memory_space<vmem>>, vector<16xi32>,
      %swap3A_663 = arith.constant 16 : index
      %swap3A_664 = tpu.vector_load %arg11[%swap3A_663] {strides = array<i32>} : memref<128xi32, #tpu.memory_space<vmem>>, vector<16xi32>,
      tpu.vector_store %arg11[%swap3A_663], %broadcast_in_dim3A_616 {strides = array<i32>} : memref<128xi32, #tpu.memory_space<vmem>>, vector<16xi32>,
      %swap3A_665 = arith.constant 32 : index
      %swap3A_666 = tpu.vector_load %arg11[%swap3A_665] {strides = array<i32>} : memref<128xi32, #tpu.memory_space<vmem>>, vector<16xi32>,
      tpu.vector_store %arg11[%swap3A_665], %broadcast_in_dim3A_616 {strides = array<i32>} : memref<128xi32, #tpu.memory_space<vmem>>, vector<16xi32>,
      %swap3A_667 = arith.constant 48 : index
      %swap3A_668 = tpu.vector_load %arg11[%swap3A_667] {strides = array<i32>} : memref<128xi32, #tpu.memory_space<vmem>>, vector<16xi32>,
      tpu.vector_store %arg11[%swap3A_667], %broadcast_in_dim3A_616 {strides = array<i32>} : memref<128xi32, #tpu.memory_space<vmem>>, vector<16xi32>,
      %swap3A_669 = arith.constant 64 : index
      %swap3A_670 = tpu.vector_load %arg11[%swap3A_669] {strides = array<i32>} : memref<128xi32, #tpu.memory_space<vmem>>, vector<16xi32>,
      tpu.vector_store %arg11[%swap3A_669], %broadcast_in_dim3A_616 {strides = array<i32>} : memref<128xi32, #tpu.memory_space<vmem>>, vector<16xi32>,
      %swap3A_671 = arith.constant 80 : index
      %swap3A_672 = tpu.vector_load %arg11[%swap3A_671] {strides = array<i32>} : memref<128xi32, #tpu.memory_space<vmem>>, vector<16xi32>,
      tpu.vector_store %arg11[%swap3A_671], %broadcast_in_dim3A_616 {strides = array<i32>} : memref<128xi32, #tpu.memory_space<vmem>>, vector<16xi32>,
      %swap3A_673 = arith.constant 96 : index
      %swap3A_674 = tpu.vector_load %arg11[%swap3A_673] {strides = array<i32>} : memref<128xi32, #tpu.memory_space<vmem>>, vector<16xi32>,
      tpu.vector_store %arg11[%swap3A_673], %broadcast_in_dim3A_616 {strides = array<i32>} : memref<128xi32, #tpu.memory_space<vmem>>, vector<16xi32>,
      %swap3A_675 = arith.constant 112 : index
      %swap3A_676 = tpu.vector_load %arg11[%swap3A_675] {strides = array<i32>} : memref<128xi32, #tpu.memory_space<vmem>>, vector<16xi32>,
      tpu.vector_store %arg11[%swap3A_675], %broadcast_in_dim3A_616 {strides = array<i32>} : memref<128xi32, #tpu.memory_space<vmem>>, vector<16xi32>,
    } else {
    }
    %mul3A_586 = arith.constant 816 : i32
    %mul3A_587 = arith.muli %arg1, %mul3A_586 : i32
    %dma_wait3A = tpu.memref_slice %arg14[%mul3A_587] : memref<13056xf32, #tpu.memory_space<vmem_shared>> -> memref<816xf32, #tpu.memory_space<vmem_shared>>
    %dma_wait3A_588 = tpu.memref_slice %arg14[%mul3A_587] : memref<13056xf32, #tpu.memory_space<vmem_shared>> -> memref<816xf32, #tpu.memory_space<vmem_shared>>
    tpu.wait_dma2 semaphore(%arg17 : memref<!tpu.dma_semaphore, #tpu.memory_space<semaphore_mem>>) src(%arg13 : memref<816xf32, #tpu.memory_space<vmem>>) dst(%dma_wait3A_588 : memref<816xf32, #tpu.memory_space<vmem_shared>>)
    %barrier3A = arith.constant 0 : index
    tpu.barrier barrier_id(%barrier3A)
    %dma_start3A_589 = arith.constant 0 : i32
    %dma_start3A_590 = tpu.memref_slice %arg14[%dma_start3A_589] : memref<13056xf32, #tpu.memory_space<vmem_shared>> -> memref<13056xf32, #tpu.memory_space<vmem_shared>>
    tpu.enqueue_indirect_dma source(%arg12 : memref<128xf32, #tpu.memory_space<vmem>>) target(%dma_start3A_590 : memref<13056xf32, #tpu.memory_space<vmem_shared>>) offsets(%arg7 : memref<128xi32, #tpu.memory_space<vmem>>) semaphore(%arg15 : memref<!tpu.dma_semaphore, #tpu.memory_space<semaphore_mem>>) {add = true}
    %dma_start3A_591 = arith.constant 0 : i32
    %dma_start3A_592 = tpu.memref_slice %arg14[%dma_start3A_591] : memref<13056xf32, #tpu.memory_space<vmem_shared>> -> memref<13056xf32, #tpu.memory_space<vmem_shared>>
    tpu.enqueue_indirect_dma source(%arg12 : memref<128xf32, #tpu.memory_space<vmem>>) target(%dma_start3A_592 : memref<13056xf32, #tpu.memory_space<vmem_shared>>) offsets(%arg8 : memref<128xi32, #tpu.memory_space<vmem>>) semaphore(%arg15 : memref<!tpu.dma_semaphore, #tpu.memory_space<semaphore_mem>>) {add = true}
    %dma_start3A_593 = arith.constant 0 : i32
    %dma_start3A_594 = tpu.memref_slice %arg14[%dma_start3A_593] : memref<13056xf32, #tpu.memory_space<vmem_shared>> -> memref<13056xf32, #tpu.memory_space<vmem_shared>>
    tpu.enqueue_indirect_dma source(%arg12 : memref<128xf32, #tpu.memory_space<vmem>>) target(%dma_start3A_594 : memref<13056xf32, #tpu.memory_space<vmem_shared>>) offsets(%arg9 : memref<128xi32, #tpu.memory_space<vmem>>) semaphore(%arg15 : memref<!tpu.dma_semaphore, #tpu.memory_space<semaphore_mem>>) {add = true}
    %dma_start3A_595 = arith.constant 0 : i32
    %dma_start3A_596 = tpu.memref_slice %arg14[%dma_start3A_595] : memref<13056xf32, #tpu.memory_space<vmem_shared>> -> memref<13056xf32, #tpu.memory_space<vmem_shared>>
    tpu.enqueue_indirect_dma source(%arg12 : memref<128xf32, #tpu.memory_space<vmem>>) target(%dma_start3A_596 : memref<13056xf32, #tpu.memory_space<vmem_shared>>) offsets(%arg10 : memref<128xi32, #tpu.memory_space<vmem>>) semaphore(%arg15 : memref<!tpu.dma_semaphore, #tpu.memory_space<semaphore_mem>>) {add = true}
    %dma_start3A_597 = arith.constant 0 : i32
    %dma_start3A_598 = tpu.memref_slice %arg14[%dma_start3A_597] : memref<13056xf32, #tpu.memory_space<vmem_shared>> -> memref<13056xf32, #tpu.memory_space<vmem_shared>>
    tpu.enqueue_indirect_dma source(%arg12 : memref<128xf32, #tpu.memory_space<vmem>>) target(%dma_start3A_598 : memref<13056xf32, #tpu.memory_space<vmem_shared>>) offsets(%arg11 : memref<128xi32, #tpu.memory_space<vmem>>) semaphore(%arg15 : memref<!tpu.dma_semaphore, #tpu.memory_space<semaphore_mem>>) {add = true}
    %dma_wait3A_599 = arith.constant 0 : i32
    %dma_wait3A_600 = tpu.memref_slice %arg14[%dma_wait3A_599] : memref<13056xf32, #tpu.memory_space<vmem_shared>> -> memref<13056xf32, #tpu.memory_space<vmem_shared>>
    tpu.wait_indirect_dma semaphore(%arg15 : memref<!tpu.dma_semaphore, #tpu.memory_space<semaphore_mem>>) src(%arg12 : memref<128xf32, #tpu.memory_space<vmem>>) dst(%dma_wait3A_600 : memref<13056xf32, #tpu.memory_space<vmem_shared>>)
    %dma_wait3A_601 = arith.constant 0 : i32
    %dma_wait3A_602 = tpu.memref_slice %arg14[%dma_wait3A_601] : memref<13056xf32, #tpu.memory_space<vmem_shared>> -> memref<13056xf32, #tpu.memory_space<vmem_shared>>
    tpu.wait_indirect_dma semaphore(%arg15 : memref<!tpu.dma_semaphore, #tpu.memory_space<semaphore_mem>>) src(%arg12 : memref<128xf32, #tpu.memory_space<vmem>>) dst(%dma_wait3A_602 : memref<13056xf32, #tpu.memory_space<vmem_shared>>)
    %dma_wait3A_603 = arith.constant 0 : i32
    %dma_wait3A_604 = tpu.memref_slice %arg14[%dma_wait3A_603] : memref<13056xf32, #tpu.memory_space<vmem_shared>> -> memref<13056xf32, #tpu.memory_space<vmem_shared>>
    tpu.wait_indirect_dma semaphore(%arg15 : memref<!tpu.dma_semaphore, #tpu.memory_space<semaphore_mem>>) src(%arg12 : memref<128xf32, #tpu.memory_space<vmem>>) dst(%dma_wait3A_604 : memref<13056xf32, #tpu.memory_space<vmem_shared>>)
    %dma_wait3A_605 = arith.constant 0 : i32
    %dma_wait3A_606 = tpu.memref_slice %arg14[%dma_wait3A_605] : memref<13056xf32, #tpu.memory_space<vmem_shared>> -> memref<13056xf32, #tpu.memory_space<vmem_shared>>
    tpu.wait_indirect_dma semaphore(%arg15 : memref<!tpu.dma_semaphore, #tpu.memory_space<semaphore_mem>>) src(%arg12 : memref<128xf32, #tpu.memory_space<vmem>>) dst(%dma_wait3A_606 : memref<13056xf32, #tpu.memory_space<vmem_shared>>)
    %dma_wait3A_607 = arith.constant 0 : i32
    %dma_wait3A_608 = tpu.memref_slice %arg14[%dma_wait3A_607] : memref<13056xf32, #tpu.memory_space<vmem_shared>> -> memref<13056xf32, #tpu.memory_space<vmem_shared>>
    tpu.wait_indirect_dma semaphore(%arg15 : memref<!tpu.dma_semaphore, #tpu.memory_space<semaphore_mem>>) src(%arg12 : memref<128xf32, #tpu.memory_space<vmem>>) dst(%dma_wait3A_608 : memref<13056xf32, #tpu.memory_space<vmem_shared>>)
    %barrier3A_609 = arith.constant 0 : index
    tpu.barrier barrier_id(%barrier3A_609)
    %eq3A_610 = arith.constant 0 : i32
    %eq3A_611 = arith.cmpi eq, %arg1, %eq3A_610 : i32
    %convert_element_type3A_612 = arith.extui %eq3A_611 : i1 to i32
    %cond3A_613 = arith.constant 0 : i32
    %cond3A_614 = arith.cmpi ne, %convert_element_type3A_612, %cond3A_613 : i32
    scf.if %cond3A_614 {
      "tpu.region"() ({
        %run_scoped3A = tpu.sem_alloc : memref<!tpu.dma_semaphore, #tpu.memory_space<semaphore_mem>>
        %dma_start3A_615 = arith.constant 0 : i32
        %dma_start3A_616 = tpu.memref_slice %arg4[%arg0, %dma_start3A_615] : memref<2x12800xf32, #tpu.memory_space<hbm>> -> memref<1x12800xf32, #tpu.memory_space<hbm>>
        %dma_start3A_617 = tpu.memref_squeeze %dma_start3A_616 : memref<1x12800xf32, #tpu.memory_space<hbm>> -> memref<12800xf32, #tpu.memory_space<hbm>>
        %dma_start3A_618 = arith.constant 0 : i32
        %dma_start3A_619 = tpu.memref_slice %arg14[%dma_start3A_618] : memref<13056xf32, #tpu.memory_space<vmem_shared>> -> memref<12800xf32, #tpu.memory_space<vmem_shared>>
        tpu.enqueue_dma source(%dma_start3A_619 : memref<12800xf32, #tpu.memory_space<vmem_shared>>) target(%dma_start3A_617 : memref<12800xf32, #tpu.memory_space<hbm>>) target_semaphore(%run_scoped3A : memref<!tpu.dma_semaphore, #tpu.memory_space<semaphore_mem>>)
        %dma_wait3A_620 = arith.constant 0 : i32
        %dma_wait3A_621 = tpu.memref_slice %arg4[%arg0, %dma_wait3A_620] : memref<2x12800xf32, #tpu.memory_space<hbm>> -> memref<1x12800xf32, #tpu.memory_space<hbm>>
        %dma_wait3A_622 = tpu.memref_squeeze %dma_wait3A_621 : memref<1x12800xf32, #tpu.memory_space<hbm>> -> memref<12800xf32, #tpu.memory_space<hbm>>
        %dma_wait3A_623 = arith.constant 0 : i32
        %dma_wait3A_624 = tpu.memref_slice %arg14[%dma_wait3A_623] : memref<13056xf32, #tpu.memory_space<vmem_shared>> -> memref<12800xf32, #tpu.memory_space<vmem_shared>>
        tpu.wait_dma2 semaphore(%run_scoped3A : memref<!tpu.dma_semaphore, #tpu.memory_space<semaphore_mem>>) src(%dma_wait3A_624 : memref<12800xf32, #tpu.memory_space<vmem_shared>>) dst(%dma_wait3A_622 : memref<12800xf32, #tpu.memory_space<hbm>>)
        tpu.yield
      }) : () -> ()
    } else {
    }
    return
  }
}

module attributes {stable_mosaic.version = 14 : i64} {
  func.func @_tc_post(%arg0: memref<2x12800xf32, #tpu.memory_space<vmem>>, %arg1: memref<1x1xf32, #tpu.memory_space<vmem>>) attributes {dimension_semantics = [], scalar_prefetch = 0 : i64, scratch_operands = 0 : i64, tpu.core_type = #tpu.core_type<tc>} {
    %get3A = arith.constant 0 : index
    %get3A_0 = arith.constant 0 : index
    %get3A_1 = vector.load %arg0[%get3A, %get3A_0] : memref<2x12800xf32, #tpu.memory_space<vmem>>, vector<2x12800xf32>
    %reshape3A = vector.shape_cast %get3A_1 : vector<2x12800xf32> to vector<2x100x128xf32>
    %reduce_sum3A = arith.constant dense<0.000000e+00> : vector<100x128xf32>
    %reduce_sum3A_2 = vector.multi_reduction <add>, %reshape3A, %reduce_sum3A [0] : vector<2x100x128xf32> to vector<100x128xf32>
    %reduce_sum3A_3 = arith.constant dense<0.000000e+00> : vector<100xf32>
    %reduce_sum3A_4 = vector.multi_reduction <add>, %reduce_sum3A_2, %reduce_sum3A_3 [1] : vector<100x128xf32> to vector<100xf32>
    %broadcast_in_dim3A = vector.shape_cast %reduce_sum3A_4 : vector<100xf32> to vector<100x1xf32>
    %reduce_sum3A_5 = arith.constant dense<0.000000e+00> : vector<128xf32>
    %reduce_sum3A_6 = vector.multi_reduction <add>, %reduce_sum3A_2, %reduce_sum3A_5 [0] : vector<100x128xf32> to vector<128xf32>
    %broadcast_in_dim3A_7 = vector.shape_cast %reduce_sum3A_6 : vector<128xf32> to vector<1x128xf32>
    %add3A = vector.broadcast %broadcast_in_dim3A : vector<100x1xf32> to vector<100x128xf32>
    %add3A_8 = vector.broadcast %broadcast_in_dim3A_7 : vector<1x128xf32> to vector<100x128xf32>
    %add3A_9 = arith.addf %add3A, %add3A_8 : vector<100x128xf32>
    %sub3A = arith.subf %add3A_9, %reduce_sum3A_2 : vector<100x128xf32>
    %gt3A = arith.constant 0.000000e+00 : f32
    %gt3A_10 = vector.broadcast %gt3A : f32 to vector<100x128xf32>
    %gt3A_11 = arith.cmpf ogt, %sub3A, %gt3A_10 : vector<100x128xf32>
    %max3A = arith.constant 1.000000e+00 : f32
    %max3A_12 = vector.broadcast %max3A : f32 to vector<100x128xf32>
    %max3A_13 = arith.maximumf %sub3A, %max3A_12 : vector<100x128xf32>
    %div3A = arith.divf %reduce_sum3A_2, %max3A_13 : vector<100x128xf32>
    %jit3A = arith.constant 0.000000e+00 : f32
    %broadcast_in_dim3A_14 = vector.broadcast %jit3A : f32 to vector<100x128xf32>
    %select_n3A = arith.select %gt3A_11, %div3A, %broadcast_in_dim3A_14 : vector<100x128xi1>, vector<100x128xf32>
    %gt3A_15 = arith.constant 0.000000e+00 : f32
    %gt3A_16 = vector.broadcast %gt3A_15 : f32 to vector<100x1xf32>
    %gt3A_17 = arith.cmpf ogt, %broadcast_in_dim3A, %gt3A_16 : vector<100x1xf32>
    %convert_element_type3A = arith.extui %gt3A_17 : vector<100x1xi1> to vector<100x1xi32>
    %convert_element_type3A_18 = arith.sitofp %convert_element_type3A : vector<100x1xi32> to vector<100x1xf32>
    %gt3A_19 = arith.constant 0.000000e+00 : f32
    %gt3A_20 = vector.broadcast %gt3A_19 : f32 to vector<1x128xf32>
    %gt3A_21 = arith.cmpf ogt, %broadcast_in_dim3A_7, %gt3A_20 : vector<1x128xf32>
    %convert_element_type3A_22 = arith.extui %gt3A_21 : vector<1x128xi1> to vector<1x128xi32>
    %convert_element_type3A_23 = arith.sitofp %convert_element_type3A_22 : vector<1x128xi32> to vector<1x128xf32>
    %ge3A = arith.constant 5.000000e-01 : f32
    %ge3A_24 = vector.broadcast %ge3A : f32 to vector<100x128xf32>
    %ge3A_25 = arith.cmpf oge, %select_n3A, %ge3A_24 : vector<100x128xf32>
    %convert_element_type3A_26 = arith.extui %ge3A_25 : vector<100x128xi1> to vector<100x128xi32>
    %convert_element_type3A_27 = arith.sitofp %convert_element_type3A_26 : vector<100x128xi32> to vector<100x128xf32>
    %mul3A = vector.broadcast %convert_element_type3A_18 : vector<100x1xf32> to vector<100x128xf32>
    %mul3A_28 = arith.mulf %convert_element_type3A_27, %mul3A : vector<100x128xf32>
    %reduce_sum3A_29 = arith.constant dense<0.000000e+00> : vector<128xf32>
    %reduce_sum3A_30 = vector.multi_reduction <add>, %mul3A_28, %reduce_sum3A_29 [0] : vector<100x128xf32> to vector<128xf32>
    %broadcast_in_dim3A_31 = vector.shape_cast %reduce_sum3A_30 : vector<128xf32> to vector<1x128xf32>
    %gt3A_32 = arith.constant 0.000000e+00 : f32
    %gt3A_33 = vector.broadcast %gt3A_32 : f32 to vector<100x128xf32>
    %gt3A_34 = arith.cmpf ogt, %select_n3A, %gt3A_33 : vector<100x128xf32>
    %lt3A = arith.constant 5.000000e-01 : f32
    %lt3A_35 = vector.broadcast %lt3A : f32 to vector<100x128xf32>
    %lt3A_36 = arith.cmpf olt, %select_n3A, %lt3A_35 : vector<100x128xf32>
    %and3A = arith.andi %gt3A_34, %lt3A_36 : vector<100x128xi1>
    %convert_element_type3A_37 = arith.extui %and3A : vector<100x128xi1> to vector<100x128xi32>
    %convert_element_type3A_38 = arith.sitofp %convert_element_type3A_37 : vector<100x128xi32> to vector<100x128xf32>
    %mul3A_39 = vector.broadcast %convert_element_type3A_18 : vector<100x1xf32> to vector<100x128xf32>
    %mul3A_40 = arith.mulf %convert_element_type3A_38, %mul3A_39 : vector<100x128xf32>
    %reduce_sum3A_41 = arith.constant dense<0.000000e+00> : vector<128xf32>
    %reduce_sum3A_42 = vector.multi_reduction <add>, %mul3A_40, %reduce_sum3A_41 [0] : vector<100x128xf32> to vector<128xf32>
    %broadcast_in_dim3A_43 = vector.shape_cast %reduce_sum3A_42 : vector<128xf32> to vector<1x128xf32>
    %add3A_44 = arith.addf %broadcast_in_dim3A_31, %broadcast_in_dim3A_43 : vector<1x128xf32>
    %gt3A_45 = arith.constant 0.000000e+00 : f32
    %gt3A_46 = vector.broadcast %gt3A_45 : f32 to vector<1x128xf32>
    %gt3A_47 = arith.cmpf ogt, %add3A_44, %gt3A_46 : vector<1x128xf32>
    %max3A_48 = arith.constant 1.000000e+00 : f32
    %max3A_49 = vector.broadcast %max3A_48 : f32 to vector<1x128xf32>
    %max3A_50 = arith.maximumf %add3A_44, %max3A_49 : vector<1x128xf32>
    %div3A_51 = arith.divf %broadcast_in_dim3A_31, %max3A_50 : vector<1x128xf32>
    %jit3A_52 = arith.constant 0.000000e+00 : f32
    %broadcast_in_dim3A_53 = vector.broadcast %jit3A_52 : f32 to vector<1x128xf32>
    %select_n3A_54 = arith.select %gt3A_47, %div3A_51, %broadcast_in_dim3A_53 : vector<1x128xi1>, vector<1x128xf32>
    %mul3A_55 = arith.mulf %select_n3A_54, %convert_element_type3A_23 : vector<1x128xf32>
    %reduce_sum3A_56 = vector.shape_cast %mul3A_55 : vector<1x128xf32> to vector<1x1x128xf32>
    %reduce_sum3A_57 = arith.constant dense<0.000000e+00> : vector<1xf32>
    %reduce_sum3A_58 = vector.multi_reduction <add>, %reduce_sum3A_56, %reduce_sum3A_57 [1, 2] : vector<1x1x128xf32> to vector<1xf32>
    %reduce_sum3A_59 = vector.shape_cast %reduce_sum3A_58 : vector<1xf32> to vector<1x1x1xf32>
    %reduce_sum3A_60 = vector.extract %reduce_sum3A_59[0, 0, 0] : f32 from vector<1x1x1xf32>
    %broadcast_in_dim3A_61 = vector.broadcast %reduce_sum3A_60 : f32 to vector<1x1xf32>
    %reduce_sum3A_62 = vector.shape_cast %convert_element_type3A_23 : vector<1x128xf32> to vector<1x1x128xf32>
    %reduce_sum3A_63 = arith.constant dense<0.000000e+00> : vector<1xf32>
    %reduce_sum3A_64 = vector.multi_reduction <add>, %reduce_sum3A_62, %reduce_sum3A_63 [1, 2] : vector<1x1x128xf32> to vector<1xf32>
    %reduce_sum3A_65 = vector.shape_cast %reduce_sum3A_64 : vector<1xf32> to vector<1x1x1xf32>
    %reduce_sum3A_66 = vector.extract %reduce_sum3A_65[0, 0, 0] : f32 from vector<1x1x1xf32>
    %broadcast_in_dim3A_67 = vector.broadcast %reduce_sum3A_66 : f32 to vector<1x1xf32>
    %max3A_68 = arith.constant 1.000000e+00 : f32
    %max3A_69 = vector.broadcast %max3A_68 : f32 to vector<1x1xf32>
    %max3A_70 = arith.maximumf %broadcast_in_dim3A_67, %max3A_69 : vector<1x1xf32>
    %div3A_71 = arith.divf %broadcast_in_dim3A_61, %max3A_70 : vector<1x1xf32>
    %swap3A = arith.constant 0 : index
    %swap3A_72 = arith.constant 0 : index
    %swap3A_73 = vector.load %arg1[%swap3A, %swap3A_72] : memref<1x1xf32, #tpu.memory_space<vmem>>, vector<1x1xf32>
    tpu.vector_store %arg1[%swap3A, %swap3A_72], %div3A_71 {strides = array<i32>} : memref<1x1xf32, #tpu.memory_space<vmem>>, vector<1x1xf32>,
    return
  }
}

</mosaic_0001>

<sc_bundles>
// kernel: kernel.4.cloned.1.call-start
scs
__scs_entry_jumppad:
0x0: {  	(pc) =	sbr.rel $0x88, $3  }
0x1: {  	(tag) =	ssettag $0x0;
	lr =	simm.s32 $0x1  }
0x2: {  	[smem:$0x3F9F] =	sst lr;
	_ =	strace $0xD0000000  }
0x3: {  	_ = 	snop  }
0x4: {  	_ = 	snop  }
0x5: {  	_ = 	snop  }
0x6: {  	_ = 	snop  }
0x7: {  	_ = 	snop  }
__scs_overlays_trampoline_lowered:
0x8: {  	[smem:$0x3FAE] =	sst s0  }
0x9: {  	[smem:$0x3FAF] =	sst s1  }
0xa: {  	[smem:$0x3FB0] =	sst s2  }
0xb: {  	[smem:$0x3FB1] =	sst s3  }
0xc: {  	[smem:$0x3FB2] =	sst s4  }
0xd: {  	[smem:$0x3FB3] =	sst s5  }
0xe: {  	[smem:$0x3FB4] =	sst s6  }
0xf: {  	[smem:$0x3FB5] =	sst s7  }
0x10: {  	[smem:$0x3FB6] =	sst s8  }
0x11: {  	[smem:$0x3FB7] =	sst s9;
	s0 =	simm.s32 @!p0 $0x0  }
0x12: {  	s1 =	sld [smem:$0x3F9D];
	s0 =	simm.s32 @p0 $0x1  }
0x13: {  	[smem:$0x3FB8] =	sst s0;
	s0 =	simm.s32 @!p1 $0x0  }
0x14: {  	s2 =	sld [smem:$0x3F9C];
	s0 =	simm.s32 @p1 $0x1  }
0x15: {  	[smem:$0x3FB9] =	sst s0;
	s0 =	simm.s32 @!p2 $0x0  }
0x16: {  	s3 =	sld [smem:$0x3FDB];
	s0 =	simm.s32 @p2 $0x1  }
0x17: {  	s4 =	simm.s32 $0x1BF5;
	[smem:$0x3FBB] =	sst s0  }
0x18: {  	s0 =	sld [smem:$0x3F9E];
	_ =	swait.ge [sflag:s4], $0x0  }
0x19: {  	s7 =	sld [smem:$0x3F9F]  }
0x1a: {  	s8 =	sadd.s32 $0xFFFFE003, lr  }
0x1b: {  	s9 =	sadd.s32 $0xFFFFFEF7, lr;
	s5 =	simm.s32 $0xFFFFFFFF;
	p2 =	slt.u32 s8, $0xFFFFF086  }
0x1c: {  	p1 =	slt.u32 s9, $0xF7A;
	s5 =	simm.s32 @!p2 $0x0  }
0x1d: {  	s5 =	simm.s32 @p1 $0x1;
	p0 =	seq.s32 s7, s2  }
0x1e: {  	s7 =	smul.u32 @!p0 $0xF7A, s2;
	p2 =	seq.s32 @!p0 s5, $0x0  }
0x1f: {  	s9 =	smul.u32 $0xF7A, s1;
	s8 =	simm.s32 @!p0 $0x1BF5;
	p2 =	por !p2, p0  }
0x20: {  	[sflag:s8] =	ssyncset.s32 @!p0 $0xFFFFF086;
	s6 =	sadd.s32 @!p0 s3, s7;
	s7 =	simm.s32 @!p0 $0x108  }
0x21: {  	s3 =	sadd.s32 s3, s9;
	s6 =	sadd.s32 @!p0 $0x88, s6;
	s7 =	simm.s32 @p2 $0x1082  }
0x22: {  	[simem:s7], [sflag:s8] =	dma.local @!p0 [hbm:s6], $0xF7A  }
0x23: {  	s9 =	sor.u32 $0xD0000000, s2;
	s6 =	simm.s32 $0x108;
	_ =	swait.ge @!p0 [sflag:s8], $0x0  }
0x24: {  	s3 =	sadd.s32 $0x88, s3;
	s6 =	simm.s32 @!p1 $0x1082;
	[sflag:s4] =	ssyncset.s32 $0xFFFFF086  }
0x25: {  	[simem:s6], [sflag:s4] =	dma.local [hbm:s3], $0xF7A  }
0x26: {  	[smem:$0x3F9F] =	sst s1;
	(tag) =	ssettag s2;
	_ =	strace s9  }
0x27: {  	s1 =	sld [smem:$0x3FAF]  }
0x28: {  	s2 =	sld [smem:$0x3FB0]  }
0x29: {  	s4 =	sld [smem:$0x3FB2]  }
0x2a: {  	p0 =	seq.s32 s5, $0x0;
	s5 =	sld [smem:$0x3FB3]  }
0x2b: {  	s6 =	sld [smem:$0x3FB4]  }
0x2c: {  	s7 =	sld [smem:$0x3FB5]  }
0x2d: {  	s3 =	simm.s32 $0x108;
	s8 =	sld [smem:$0x3FB6]  }
0x2e: {  	s3 =	simm.s32 @!p0 $0x1082;
	s9 =	sld [smem:$0x3FB7]  }
0x2f: {  	lr =	sadd.s32 s0, s3;
	s0 =	sld [smem:$0x3FAE]  }
0x30: {  	s3 =	sld [smem:$0x3FB1]  }
0x31: {  	[smem:$0x3FBA] =	sst s10  }
0x32: {  	s10 =	sld [smem:$0x3FB8];
	_ =	sdelay $0x3  }
0x33: {  	p0 =	seq.s32 s10, $0x1;
	s10 =	sld [smem:$0x3FBA];
	_ =	sdelay $0x3  }
0x34: {  	[smem:$0x3FBA] =	sst s10  }
0x35: {  	s10 =	sld [smem:$0x3FB9];
	_ =	sdelay $0x3  }
0x36: {  	p1 =	seq.s32 s10, $0x1;
	s10 =	sld [smem:$0x3FBA];
	_ =	sdelay $0x3  }
0x37: {  	[smem:$0x3FBA] =	sst s10  }
0x38: {  	s10 =	sld [smem:$0x3FBB]  }
0x39: {  	_ = 	snop;
	(pc) =	sbr.ind lr, $3  }
0x3a: {  	_ = 	snop  }
0x3b: {  	_ = 	snop  }
0x3c: {  	p2 =	seq.s32 s10, $0x1;
	s10 =	sld [smem:$0x3FBA]  }
0x3d: {  	_ =	shalt  }
0x3e: {  	_ =	shalt  }
0x3f: {  	_ =	shalt  }
0x40: {  	_ =	shalt  }
0x41: {  	_ =	shalt  }
0x42: {  	_ =	shalt  }
0x43: {  	_ =	shalt  }
0x44: {  	_ =	shalt  }
0x45: {  	_ =	shalt  }
0x46: {  	_ =	shalt  }
0x47: {  	_ =	shalt  }
0x48: {  	_ =	shalt  }
0x49: {  	_ =	shalt  }
0x4a: {  	_ =	shalt  }
0x4b: {  	_ =	shalt  }
0x4c: {  	_ =	shalt  }
0x4d: {  	_ =	shalt  }
0x4e: {  	_ =	shalt  }
0x4f: {  	_ =	shalt  }
0x50: {  	_ =	shalt  }
0x51: {  	_ =	shalt  }
0x52: {  	_ =	shalt  }
0x53: {  	_ =	shalt  }
0x54: {  	_ =	shalt  }
0x55: {  	_ =	shalt  }
0x56: {  	_ =	shalt  }
0x57: {  	_ =	shalt  }
0x58: {  	_ =	shalt  }
0x59: {  	_ =	shalt  }
0x5a: {  	_ =	shalt  }
0x5b: {  	_ =	shalt  }
0x5c: {  	_ =	shalt  }
0x5d: {  	_ =	shalt  }
0x5e: {  	_ =	shalt  }
0x5f: {  	_ =	shalt  }
0x60: {  	_ =	shalt  }
0x61: {  	_ =	shalt  }
0x62: {  	_ =	shalt  }
0x63: {  	_ =	shalt  }
0x64: {  	_ =	shalt  }
0x65: {  	_ =	shalt  }
0x66: {  	_ =	shalt  }
0x67: {  	_ =	shalt  }
0x68: {  	_ =	shalt  }
0x69: {  	_ =	shalt  }
0x6a: {  	_ =	shalt  }
0x6b: {  	_ =	shalt  }
0x6c: {  	_ =	shalt  }
0x6d: {  	_ =	shalt  }
0x6e: {  	_ =	shalt  }
0x6f: {  	_ =	shalt  }
0x70: {  	_ =	shalt  }
0x71: {  	_ =	shalt  }
0x72: {  	_ =	shalt  }
0x73: {  	_ =	shalt  }
0x74: {  	_ =	shalt  }
0x75: {  	_ =	shalt  }
0x76: {  	_ =	shalt  }
0x77: {  	_ =	shalt  }
0x78: {  	_ =	shalt  }
0x79: {  	_ =	shalt  }
0x7a: {  	_ =	shalt  }
0x7b: {  	_ =	shalt  }
0x7c: {  	_ =	shalt  }
0x7d: {  	_ =	shalt  }
0x7e: {  	_ =	shalt  }
0x7f: {  	_ =	shalt  }
0x80: {  	_ =	shalt  }
0x81: {  	_ =	shalt  }
0x82: {  	_ =	shalt  }
0x83: {  	_ =	shalt  }
0x84: {  	_ =	shalt  }
0x85: {  	_ =	shalt  }
0x86: {  	_ =	shalt  }
0x87: {  	_ =	shalt  }
.Lfunc_end0:
.L_simem_size_0:
called_computation_lowered:
.L_overlay_start_0:
0x88: {  	s2 =	sld [smem:$0x3FD9]  }
0x89: {  	s3 =	sld [smem:$0x3FFE];
	_ =	sdelay $0x1  }
0x8a: {  	s1 =	srdreg.scid  }
0x8b: {  	s0 =	sand.u32 $0x1, s1  }
0x8c: {  	s17 =	sshll.u32 s0, $0xA;
	s2 =	sadd.s32 s3, s2  }
0x8d: {  	s2 =	sadd.s32 s2, s17  }
0x8e: {  	[smem:$0x3FC6] =	sst s2  }
0x8f: {  	_ = 	snop  }
0x90: {  	s2 =	sld [smem:$0x3FC9]  }
0x91: {  	s18 =	sld [smem:$0x3FC8];
	(tm) =	ssettm $0x1  }
0x92: {  	s4 =	sld [smem:$0x3FFB];
	_ =	sdelay $0x3  }
0x93: {  	_ =	strace s4  }
0x94: {  	s4 =	sld [smem:$0x3FFC];
	_ =	sdelay $0x3  }
0x95: {  	_ =	strace s4  }
0x96: {  	s4 =	sld [smem:$0x3FFD];
	_ =	sdelay $0x3  }
0x97: {  	_ =	strace s4  }
0x98: {  	_ =	strace $0x8FFFFFFF  }
0x99: {  	s19 =	sld [smem:$0x3FDB];
	_ =	sdelay $0x1  }
0x9a: {  	s5 =	simm.s32 $_scs_section_size  }
0x9b: {  	s6 =	simm.s32 $_size__tile_overlayer_lowered;
	s7 =	simm.s32 $_tile_overlayer_lowered  }
0x9c: {  	s22 =	simm.s32 $0x1BFF;
	s21 =	sshll.u32 s7, $0x1;
	s4 =	sadd.s32 s5, s19  }
0x9d: {  	s8 =	simm.s32 $0x0;
	s20 =	sshll.u32 s6, $0x1;
	s6 =	sadd.s32 s21, s4  }
0x9e: {  	[timem:s8], [sflag:s22] =	dma.local [hbm:s6], s20  }
0x9f: {  	_ =	swait.ge [sflag:s22], s20  }
0xa0: {  	s5 =	ssub.s32 $0x0, s20;
	[sflag:s22] =	ssyncset.done $0x0  }
0xa1: {  	[sflag:s22] =	ssyncadd.s32 s5;
	_ =	sdelay $0x1  }
0xa2: {  	s23 =	simm.s32 $0x1B8B  }
0xa3: {  	_ =	swait.ge [sflag:s23], $0x1  }
0xa4: {  	[sflag:s23] =	ssyncset.done $0x0  }
0xa5: {  	s25 =	simm.s32 $0x1B8E;
	s24 =	sld [smem:$0x3FFE];
	[sflag:s23] =	ssyncadd.s32 $0xFFFFFFFF  }
0xa6: {  	s26 =	simm.s32 $execute0_lowered;
	[smem:$0x3FD2] =	sst s25  }
0xa7: {  	s6 =	sshll.u32 s26, $0x1;
	_ =	strace $0x80000046;
	[dreg:$0x1] =	wrdreg $0xFFFFFFFF  }
0xa8: {  	s28 =	simm.s32 $_size_execute0_lowered;
	s4 =	sadd.s32 s4, s6;
	[dreg:$0x0] =	wrdreg $0x0  }
0xa9: {  	s6 =	sshll.u32 s28, $0x1;
	[dreg:$0x2] =	wrdreg s4  }
0xaa: {  	[dreg:$0x3] =	wrdreg s6  }
0xab: {  	[dreg:$0x4] =	wrdreg $0xC0  }
0xac: {  	_ =	task [dreg:s8], $0x5FFFF  }
0xad: {  	[dreg:$0x1] =	wrdreg $0xFFFFFFFF  }
0xae: {  	[dreg:$0x0] =	wrdreg $0x60  }
0xaf: {  	[dreg:$0x2] =	wrdreg s2  }
0xb0: {  	[dreg:$0x3] =	wrdreg s18  }
0xb1: {  	[dreg:$0x4] =	wrdreg s24  }
0xb2: {  	[dreg:$0x5] =	wrdreg $0xB800  }
0xb3: {  	[dreg:$0x6] =	wrdreg $0x9  }
0xb4: {  	_ =	task.clear_ibuf [dreg:s8], $0x7FFFF;
	_ =	strace $0x90000046  }
0xb5: {  	s29 =	simm.s32 $0x9;
	_ =	strace $0x80000048  }
0xb6: {  	_ =	swait.ge [sflag:s29], $0x1  }
0xb7: {  	[sflag:s29] =	ssyncadd.s32 $0xFFFFFFFF  }
0xb8: {  	_ =	strace $0x90000048  }
0xb9: {  	_ =	sfence  }
0xba: {  	s30 =	sld [smem:$0x0];
	_ =	sdelay $0x2  }
0xbb: {  	s31 =	sshll.u32 s1, $0xD;
	s1 =	sshrl.u32 s1, $0x2  }
0xbc: {  	s3 =	sand.u32 $0x4000, s31;
	s1 =	sadd.s32 s1, s30  }
0xbd: {  	s0 =	sor.u32 s3, s0;
	s1 =	sshll.u32 s1, $0x11  }
0xbe: {  	s0 =	sor.u32 s1, s0  }
0xbf: {  	s0 =	sadd.s32 $0x8F2B, s0  }
0xc0: {  	[sflag:s0] =	ssyncadd.remote.s32 $0x1  }
0xc1: {  	_ =	sfence.sel $0xFFFF  }
0xc2: {  	[dreg:$0x0] =	wrdreg $0xFFFFFFFF;
	(pc) =	sbr.abs _section_cstart, $3  }
0xc3: {  	[dreg:$0x1] =	wrdreg $0xFFFFFFFF  }
0xc4: {  	_ =	task.clear_ibuf [dreg:s8], $0x2FFFF;
	_ =	strace $0x9FFFFFFF  }
0xc5: {  	(tm) =	ssettm $0x7FFFFFFF  }
tec
execute0_lowered:
.L_overlay_start_1:
0x0: {  	(tag) =	ssettag $0x1  }
0x1: {  	s4 =	rddreg [dreg:$0x0]  }
0x2: {  	s5 =	rddreg [dreg:$0x1]  }
0x3: {  	s2 =	rddreg [dreg:$0x2]  }
0x4: {  	s1 =	rddreg [dreg:$0x3]  }
0x5: {  	s0 =	rddreg [dreg:$0x4];
	s3 =	srdreg.scid  }
0x6: {  	s10 =	stileid.u32;
	s6 =	simm.s32 $0x0;
	s13 =	simm.s32 $0x780  }
0x7: {  	s14 =	simm.s32 $0x580;
	s15 =	simm.s32 $0x600;
	s16 =	simm.s32 $0x680  }
0x8: {  	s17 =	simm.s32 $0x700;
	s18 =	simm.s32 $0x1;
	s3 =	sand.u32 $0x1, s3  }
0x9: {  	s7 =	sshll.u32 s10, $0x1;
	[smem:$0x7FF] =	sst s6;
	s9 =	smul.u32 $0xCC0, s10  }
0xa: {  	p0 =	sne.s32 s10, $0x0;
	s10 =	simm.s32 $0x3;
	s11 =	sor.u32 s3, s7  }
0xb: {  	_ =	strace $0x80000047;
	s30 =	ssub.s32 $0x2, s3;
	s3 =	sshll.u32 s3, $0x4  }
0xc: {  	s19 =	sshrl.u32 @!p0 s1, $0x3;
	s7 =	smul.u32 $0x50, s11;
	s8 =	sshrl.u32 s30, $0x1  }
0xd: {  	s12 =	sadd.s32 s3, s2;
	s31 =	sshrl.u32 s9, $0x2;
	p1 =	seq.s32 s11, $0x1F  }
0xe: {  	s9 =	simm.s32 $0x800;
	p2 =	sne.s32 s11, $0x1F;
	s11 =	simm.s32 $0x80  }
0xf: {  	s8 =	ssub.s32 s30, s8;
	s6 =	sadd.s32 s31, s1;
	s2 =	sadd.s32 s4, s7  }
0x10: {  	s3 =	sadd.s32 s5, s7;
	s4 =	sadd.s32 $0x9B0, s4;
	s5 =	sadd.s32 $0x9B0, s5  }
0x11: {  	v0 =	vimm.f32 $0.0e+00;
	v1 =	vimm.f32 $1.000000000e+00;
	s7 =	sadd.s32 $0x600, s12;
	s8 =	smax.u32 s8, $0x1;
	s12 =	simm.s32 $0x500  }
.LBB2_1:
0x12: {  	s20 =	simm.s32 @p1 $0x0  }
0x13: {  	[tilespmem:s20], [sflag:$0x2] =	stream.linear.gather @p1 [hbm4b:s4+s20], $0xA0, $0x38;
	[tilespmem:$0xEB0] =	vst v63  }
0x14: {  	s21 =	simm.s32 @p1 $0x280  }
0x15: {  	[tilespmem:s21], [sflag:$0x2] =	stream.linear.gather @p1 [hbm4b:s5+s20], $0xA0, $0x38;
	[tilespmem:$0xEB0] =	vst v63  }
0x16: {  	s20 =	simm.s32 @!p1 $0x0  }
0x17: {  	[tilespmem:s20], [sflag:$0x2] =	stream.linear.gather @!p1 [hbm4b:s2+s20], $0x280, $0x38;
	[tilespmem:$0xEB0] =	vst v63  }
0x18: {  	s21 =	simm.s32 @!p1 $0x280  }
0x19: {  	[tilespmem:s21], [sflag:$0x2] =	stream.linear.gather @!p1 [hbm4b:s3+s20], $0x280, $0x38;
	[tilespmem:$0xEB0] =	vst v63  }
0x1a: {  	[tilespmem:$0x800] =	vst v0  }
0x1b: {  	[tilespmem:$0x810] =	vst v0  }
0x1c: {  	[tilespmem:$0x820] =	vst v0  }
0x1d: {  	[tilespmem:$0x830] =	vst v0  }
0x1e: {  	[tilespmem:$0x840] =	vst v0  }
0x1f: {  	[tilespmem:$0x850] =	vst v0  }
0x20: {  	[tilespmem:$0x860] =	vst v0  }
0x21: {  	[tilespmem:$0x870] =	vst v0  }
0x22: {  	[tilespmem:$0x880] =	vst v0  }
0x23: {  	[tilespmem:$0x890] =	vst v0  }
0x24: {  	[tilespmem:$0x8A0] =	vst v0  }
0x25: {  	[tilespmem:$0x8B0] =	vst v0  }
0x26: {  	[tilespmem:$0x8C0] =	vst v0  }
0x27: {  	[tilespmem:$0x8D0] =	vst v0  }
0x28: {  	[tilespmem:$0x8E0] =	vst v0  }
0x29: {  	[tilespmem:$0x8F0] =	vst v0  }
0x2a: {  	[tilespmem:$0x900] =	vst v0  }
0x2b: {  	[tilespmem:$0x910] =	vst v0  }
0x2c: {  	[tilespmem:$0x920] =	vst v0  }
0x2d: {  	[tilespmem:$0x930] =	vst v0  }
0x2e: {  	[tilespmem:$0x940] =	vst v0  }
0x2f: {  	[tilespmem:$0x950] =	vst v0  }
0x30: {  	[tilespmem:$0x960] =	vst v0  }
0x31: {  	[tilespmem:$0x970] =	vst v0  }
0x32: {  	[tilespmem:$0x980] =	vst v0  }
0x33: {  	[tilespmem:$0x990] =	vst v0  }
0x34: {  	[tilespmem:$0x9A0] =	vst v0  }
0x35: {  	[tilespmem:$0x9B0] =	vst v0  }
0x36: {  	[tilespmem:$0x9C0] =	vst v0  }
0x37: {  	[tilespmem:$0x9D0] =	vst v0  }
0x38: {  	[tilespmem:$0x9E0] =	vst v0  }
0x39: {  	[tilespmem:$0x9F0] =	vst v0  }
0x3a: {  	[tilespmem:$0xA00] =	vst v0  }
0x3b: {  	[tilespmem:$0xA10] =	vst v0  }
0x3c: {  	[tilespmem:$0xA20] =	vst v0  }
0x3d: {  	[tilespmem:$0xA30] =	vst v0  }
0x3e: {  	[tilespmem:$0xA40] =	vst v0  }
0x3f: {  	[tilespmem:$0xA50] =	vst v0  }
0x40: {  	[tilespmem:$0xA60] =	vst v0  }
0x41: {  	[tilespmem:$0xA70] =	vst v0  }
0x42: {  	[tilespmem:$0xA80] =	vst v0  }
0x43: {  	[tilespmem:$0xA90] =	vst v0  }
0x44: {  	[tilespmem:$0xAA0] =	vst v0  }
0x45: {  	[tilespmem:$0xAB0] =	vst v0  }
0x46: {  	[tilespmem:$0xAC0] =	vst v0  }
0x47: {  	[tilespmem:$0xAD0] =	vst v0  }
0x48: {  	[tilespmem:$0xAE0] =	vst v0  }
0x49: {  	[tilespmem:$0xAF0] =	vst v0  }
0x4a: {  	[tilespmem:$0xB00] =	vst v0  }
0x4b: {  	[tilespmem:$0xB10] =	vst v0  }
0x4c: {  	[tilespmem:$0xB20] =	vst v0  }
0x4d: {  	[tilespmem:$0x780] =	vst v1  }
0x4e: {  	[tilespmem:$0x790] =	vst v1  }
0x4f: {  	[tilespmem:$0x7A0] =	vst v1  }
0x50: {  	[tilespmem:$0x7B0] =	vst v1  }
0x51: {  	[tilespmem:$0x7C0] =	vst v1  }
0x52: {  	[tilespmem:$0x7D0] =	vst v1  }
0x53: {  	[tilespmem:$0x7E0] =	vst v1  }
0x54: {  	s20 =	simm.s32 @p1 $0x2;
	[tilespmem:$0x7F0] =	vst v1  }
0x55: {  	[spmem:s6] =	stream.linear.scatter [tilespmem:s9], [sflag:$0x3], $0x330, $0x38;
	[tilespmem:$0xEB0] =	vst v63  }
0x56: {  	_ =	swait.ge @p1 [sflag:s20], $0xA0  }
0x57: {  	[sflag:s20] =	ssyncset.done @p1 $0x0  }
0x58: {  	[sflag:s20] =	ssyncadd.s32 @p1 $0xFFFFFF60  }
0x59: {  	_ =	swait.ge @p1 [sflag:s20], $0xA0  }
0x5a: {  	[sflag:s20] =	ssyncset.done @p1 $0x0  }
0x5b: {  	[sflag:s20] =	ssyncadd.s32 @p1 $0xFFFFFF60;
	s20 =	simm.s32 @!p1 $0x2  }
0x5c: {  	_ =	swait.ge @!p1 [sflag:s20], $0x280  }
0x5d: {  	[sflag:s20] =	ssyncset.done @!p1 $0x0  }
0x5e: {  	[sflag:s20] =	ssyncadd.s32 @!p1 $0xFFFFFD80  }
0x5f: {  	_ =	swait.ge @!p1 [sflag:s20], $0x280  }
0x60: {  	[sflag:s20] =	ssyncset.done @!p1 $0x0  }
0x61: {  	[sflag:s20] =	ssyncadd.s32 @!p1 $0xFFFFFD80  }
0x62: {  	v2 =	vld [tilespmem:$0x0]  }
0x63: {  	v3 =	vld [tilespmem:$0x280]  }
0x64: {  	v4 =	vld [tilespmem:$0x10]  }
0x65: {  	v5 =	vld [tilespmem:$0x290]  }
0x66: {  	v6 =	vld [tilespmem:$0x20]  }
0x67: {  	v7 =	vld [tilespmem:$0x2A0]  }
0x68: {  	v8 =	vld [tilespmem:$0x30]  }
0x69: {  	v9 =	vld [tilespmem:$0x2B0]  }
0x6a: {  	v10 =	vld [tilespmem:$0x40]  }
0x6b: {  	v11 =	vld [tilespmem:$0x2C0]  }
0x6c: {  	v12 =	vld [tilespmem:$0x50]  }
0x6d: {  	v13 =	vld [tilespmem:$0x2D0]  }
0x6e: {  	v14 =	vld [tilespmem:$0x60]  }
0x6f: {  	v15 =	vld [tilespmem:$0x2E0]  }
0x70: {  	v16 =	vld [tilespmem:$0x70]  }
0x71: {  	v17 =	vld [tilespmem:$0x2F0]  }
0x72: {  	v18 =	vld [tilespmem:$0x80]  }
0x73: {  	v19 =	vld [tilespmem:$0x300]  }
0x74: {  	v20 =	vld [tilespmem:$0x90]  }
0x75: {  	v21 =	vld [tilespmem:$0x310]  }
0x76: {  	v22 =	vld [tilespmem:$0xA0]  }
0x77: {  	v24 =	vld [tilespmem:$0xB0]  }
0x78: {  	v26 =	vld [tilespmem:$0xC0]  }
0x79: {  	v28 =	vld [tilespmem:$0xD0]  }
0x7a: {  	v38 =	vld [tilespmem:$0xE0]  }
0x7b: {  	v39 =	vld [tilespmem:$0xF0];
	v2 =	vmul.f32 $1.280000000e+02, v2;
	v4 =	vmul.f32 $1.280000000e+02, v4  }
0x7c: {  	v30 =	vld [tilespmem:$0x100];
	v37 =	vmul.f32 $1.280000000e+02, v6;
	v8 =	vmul.f32 $1.280000000e+02, v8  }
0x7d: {  	v44 =	vld [tilespmem:$0x110];
	v40 =	vmul.f32 $1.280000000e+02, v10;
	v12 =	vmul.f32 $1.280000000e+02, v12  }
0x7e: {  	v45 =	vld [tilespmem:$0x120];
	v43 =	vmul.f32 $1.280000000e+02, v14;
	v16 =	vmul.f32 $1.280000000e+02, v16  }
0x7f: {  	v32 =	vld [tilespmem:$0x130];
	v46 =	vmul.f32 $1.280000000e+02, v18;
	v20 =	vmul.f32 $1.280000000e+02, v20  }
0x80: {  	v60 =	vld [tilespmem:$0x190];
	v49 =	vmul.f32 $1.280000000e+02, v22;
	v24 =	vmul.f32 $1.280000000e+02, v24  }
0x81: {  	v51 =	vld [tilespmem:$0x150];
	v52 =	vmul.f32 $1.280000000e+02, v26;
	v28 =	vmul.f32 $1.280000000e+02, v28  }
0x82: {  	v34 =	vld [tilespmem:$0x160];
	v6 =	vmul.f32 $1.280000000e+02, v38;
	v57 =	vmul.f32 $1.280000000e+02, v30  }
0x83: {  	v56 =	vld [tilespmem:$0x180];
	v59 =	vmul.f32 $1.280000000e+02, v44;
	v36 =	vmul.f32 $1.280000000e+02, v45;
	v2 =	vadd.f32 v3, v2  }
0x84: {  	v23 =	vld [tilespmem:$0x320];
	v38 =	vmul.f32 $1.280000000e+02, v32;
	v4 =	vadd.f32 v5, v4;
	v5 =	vadd.f32 v7, v37  }
0x85: {  	v25 =	vld [tilespmem:$0x330];
	v14 =	vmul.f32 $1.280000000e+02, v60;
	v8 =	vadd.f32 v9, v8;
	v12 =	vadd.f32 v13, v12  }
0x86: {  	v27 =	vld [tilespmem:$0x340];
	v13 =	vadd.f32 v15, v43;
	v16 =	vadd.f32 v17, v16;
	v7 =	vmul.f32 $1.280000000e+02, v39  }
0x87: {  	v29 =	vld [tilespmem:$0x360];
	v17 =	vadd.f32 v19, v46;
	v43 =	vmul.f32 $1.280000000e+02, v51;
	v46 =	vmul.f32 $1.280000000e+02, v34  }
0x88: {  	v63 =	vld [tilespmem:$0x410];
	v9 =	vadd.f32 v11, v40;
	v51 =	vmul.f32 $1.280000000e+02, v56;
	v2 =	vtrunc.f32 v2  }
0x89: {  	v41 =	vld [tilespmem:$0x370];
	v20 =	vadd.f32 v21, v20;
	v4 =	vtrunc.f32 v4;
	v5 =	vtrunc.f32 v5  }
0x8a: {  	v50 =	vld [tilespmem:$0x140];
	v21 =	vadd.f32 v23, v49;
	v8 =	vtrunc.f32 v8;
	v9 =	vtrunc.f32 v9  }
0x8b: {  	v42 =	vld [tilespmem:$0x380];
	v24 =	vadd.f32 v25, v24;
	v12 =	vtrunc.f32 v12;
	v13 =	vtrunc.f32 v13  }
0x8c: {  	v31 =	vld [tilespmem:$0x390];
	v25 =	vadd.f32 v27, v52;
	v16 =	vtrunc.f32 v16;
	v17 =	vtrunc.f32 v17  }
0x8d: {  	v47 =	vld [tilespmem:$0x3A0];
	v10 =	vadd.f32 v63, v14;
	v20 =	vtrunc.f32 v20;
	v21 =	vtrunc.f32 v21  }
0x8e: {  	v48 =	vld [tilespmem:$0x3B0];
	v24 =	vtrunc.f32 v24;
	v25 =	vtrunc.f32 v25  }
0x8f: {  	v33 =	vld [tilespmem:$0x3C0];
	v7 =	vadd.f32 v41, v7;
	v41 =	vmul.f32 $1.280000000e+02, v50;
	v60 =	vtrunc.f32 v10  }
0x90: {  	v55 =	vld [tilespmem:$0x170];
	v2 =	vcvt.f32.s32 v2;
	v4 =	vcvt.f32.s32 v4  }
0x91: {  	v58 =	vld [tilespmem:$0x400];
	v5 =	vcvt.f32.s32 v5;
	v8 =	vcvt.f32.s32 v8  }
0x92: {  	v44 =	vld [tilespmem:$0x1C0];
	v9 =	vcvt.f32.s32 v9;
	v12 =	vcvt.f32.s32 v12;
	[tilespmem:$0x500] =	vst v2  }
0x93: {  	v3 =	vld [tilespmem:$0x350];
	v13 =	vcvt.f32.s32 v13;
	v16 =	vcvt.f32.s32 v16;
	[tilespmem:$0x510] =	vst v4  }
0x94: {  	v32 =	vld [tilespmem:$0x220];
	v17 =	vcvt.f32.s32 v17;
	v20 =	vcvt.f32.s32 v20;
	[tilespmem:$0x520] =	vst v5  }
0x95: {  	v62 =	vadd.f32 v42, v57;
	v37 =	vld [tilespmem:$0x1A0];
	v21 =	vcvt.f32.s32 v21;
	v24 =	vcvt.f32.s32 v24;
	[tilespmem:$0x530] =	vst v8  }
0x96: {  	v6 =	vadd.f32 v29, v6;
	v40 =	vld [tilespmem:$0x1B0];
	v25 =	vcvt.f32.s32 v25;
	v63 =	vcvt.f32.s32 v60;
	[tilespmem:$0x540] =	vst v9  }
0x97: {  	v31 =	vadd.f32 v31, v59;
	v57 =	vld [tilespmem:$0x200];
	v61 =	vtrunc.f32 v7;
	v7 =	vtrunc.f32 v62;
	[tilespmem:$0x550] =	vst v12  }
0x98: {  	v53 =	vld [tilespmem:$0x3D0];
	v3 =	vadd.f32 v3, v28;
	v2 =	vtrunc.f32 v6;
	v4 =	vcvt.f32.s32 v61;
	[tilespmem:$0x560] =	vst v13  }
0x99: {  	v54 =	vld [tilespmem:$0x3E0];
	v7 =	vcvt.f32.s32 v7;
	v5 =	vtrunc.f32 v31;
	v6 =	vadd.f32 v47, v36;
	[tilespmem:$0x570] =	vst v16  }
0x9a: {  	v35 =	vld [tilespmem:$0x3F0];
	v8 =	vadd.f32 v48, v38;
	[tilespmem:$0x580] =	vst v17;
	v48 =	vmul.f32 $1.280000000e+02, v55;
	v11 =	vmul.f32 $1.280000000e+02, v37  }
0x9b: {  	v45 =	vld [tilespmem:$0x440];
	v12 =	vadd.f32 v33, v41;
	[tilespmem:$0x590] =	vst v20;
	v9 =	vmul.f32 $1.280000000e+02, v40;
	v28 =	vmul.f32 $1.280000000e+02, v44  }
0x9c: {  	v50 =	vld [tilespmem:$0x1E0];
	[tilespmem:$0x5A0] =	vst v21;
	v55 =	vadd.f32 v58, v51;
	v40 =	vmul.f32 $1.280000000e+02, v57;
	v51 =	vmul.f32 $1.280000000e+02, v32  }
0x9d: {  	v39 =	vld [tilespmem:$0x420];
	v13 =	vadd.f32 v53, v43;
	[tilespmem:$0x5B0] =	vst v24;
	v2 =	vcvt.f32.s32 v2;
	v5 =	vcvt.f32.s32 v5  }
0x9e: {  	v42 =	vld [tilespmem:$0x430];
	v17 =	vadd.f32 v54, v46;
	[tilespmem:$0x5C0] =	vst v25;
	v3 =	vtrunc.f32 v3;
	v6 =	vtrunc.f32 v6  }
0x9f: {  	v52 =	vld [tilespmem:$0x460];
	[tilespmem:$0x690] =	vst v63;
	v8 =	vtrunc.f32 v8;
	v12 =	vtrunc.f32 v12  }
0xa0: {  	v34 =	vld [tilespmem:$0x4A0];
	v13 =	vtrunc.f32 v13;
	v17 =	vtrunc.f32 v17;
	[tilespmem:$0x5F0] =	vst v4  }
0xa1: {  	v62 =	vld [tilespmem:$0x210];
	v20 =	vadd.f32 v35, v48;
	v58 =	vtrunc.f32 v55;
	[tilespmem:$0x600] =	vst v7;
	v35 =	vmul.f32 $1.280000000e+02, v50  }
0xa2: {  	v59 =	vld [tilespmem:$0x480];
	v3 =	vcvt.f32.s32 v3;
	v6 =	vcvt.f32.s32 v6;
	[tilespmem:$0x5E0] =	vst v2  }
0xa3: {  	v47 =	vld [tilespmem:$0x1D0];
	v61 =	vadd.f32 v39, v11;
	v8 =	vcvt.f32.s32 v8;
	v12 =	vcvt.f32.s32 v12;
	[tilespmem:$0x610] =	vst v5  }
0xa4: {  	v53 =	vld [tilespmem:$0x1F0];
	v27 =	vadd.f32 v42, v9;
	v13 =	vcvt.f32.s32 v13;
	v4 =	vcvt.f32.s32 v58;
	[tilespmem:$0x5D0] =	vst v3  }
0xa5: {  	v36 =	vld [tilespmem:$0x230];
	v9 =	vadd.f32 v34, v51;
	v54 =	vtrunc.f32 v20;
	v30 =	vtrunc.f32 v61;
	[tilespmem:$0x620] =	vst v6  }
0xa6: {  	v46 =	vld [tilespmem:$0x250];
	v7 =	vtrunc.f32 v27;
	v11 =	vmul.f32 $1.280000000e+02, v62;
	[tilespmem:$0x630] =	vst v8  }
0xa7: {  	v29 =	vld [tilespmem:$0x490];
	v9 =	vtrunc.f32 v9;
	v3 =	vcvt.f32.s32 v17;
	[tilespmem:$0x640] =	vst v12  }
0xa8: {  	v49 =	vld [tilespmem:$0x450];
	v33 =	vadd.f32 v45, v28;
	v2 =	vcvt.f32.s32 v54;
	v31 =	vmul.f32 $1.280000000e+02, v47;
	[tilespmem:$0x650] =	vst v13  }
0xa9: {  	v56 =	vld [tilespmem:$0x470];
	v6 =	vcvt.f32.s32 v30;
	v7 =	vcvt.f32.s32 v7;
	[tilespmem:$0x680] =	vst v4  }
0xaa: {  	v38 =	vld [tilespmem:$0x4B0];
	v39 =	vadd.f32 v52, v35;
	v8 =	vtrunc.f32 v33;
	v37 =	vmul.f32 $1.280000000e+02, v53;
	[tilespmem:$0x660] =	vst v3  }
0xab: {  	v45 =	vadd.f32 v59, v40;
	v52 =	vld [tilespmem:$0x260];
	v54 =	vmul.f32 $1.280000000e+02, v36;
	v58 =	vmul.f32 $1.280000000e+02, v46;
	[tilespmem:$0x670] =	vst v2  }
0xac: {  	v48 =	vld [tilespmem:$0x4D0];
	v59 =	vcvt.f32.s32 v9;
	v44 =	vtrunc.f32 v39;
	v50 =	vadd.f32 v29, v11;
	[tilespmem:$0x6A0] =	vst v6  }
0xad: {  	v55 =	vld [tilespmem:$0x4E0];
	v10 =	vadd.f32 v49, v31;
	v2 =	vcvt.f32.s32 v8;
	v49 =	vtrunc.f32 v45;
	[tilespmem:$0x6B0] =	vst v7  }
0xae: {  	v4 =	vcvt.f32.s32 v44;
	[tilespmem:$0x720] =	vst v59;
	v6 =	vcvt.f32.s32 v49  }
0xaf: {  	v42 =	vadd.f32 v56, v37;
	v3 =	vtrunc.f32 v10;
	[tilespmem:$0x6C0] =	vst v2;
	v2 =	vtrunc.f32 v50  }
0xb0: {  	v57 =	vadd.f32 v38, v54;
	[tilespmem:$0x6E0] =	vst v4;
	v60 =	vmul.f32 $1.280000000e+02, v52;
	v2 =	vcvt.f32.s32 v2  }
0xb1: {  	v61 =	vadd.f32 v48, v58;
	v47 =	vtrunc.f32 v42;
	v3 =	vcvt.f32.s32 v3;
	[tilespmem:$0x700] =	vst v6  }
0xb2: {  	v4 =	vtrunc.f32 v57;
	v5 =	vcvt.f32.s32 v47;
	[tilespmem:$0x710] =	vst v2;
	v2 =	vadd.f32 v55, v60  }
0xb3: {  	v4 =	vcvt.f32.s32 v4;
	v6 =	vtrunc.f32 v61;
	[tilespmem:$0x6D0] =	vst v3  }
0xb4: {  	v63 =	vcvt.f32.s32 v6;
	[tilespmem:$0x6F0] =	vst v5;
	v2 =	vtrunc.f32 v2  }
0xb5: {  	[tilespmem:$0x730] =	vst v4;
	v2 =	vcvt.f32.s32 v2  }
0xb6: {  	[tilespmem:$0x750] =	vst v63  }
0xb7: {  	[tilespmem:$0x760] =	vst v2;
	v2 =	vimm.s32 @!p2 $0x3200  }
0xb8: {  	[tilespmem:$0x5A0] =	vst @!p2 v2  }
0xb9: {  	[tilespmem:$0x5B0] =	vst @!p2 v2  }
0xba: {  	[tilespmem:$0x5C0] =	vst @!p2 v2  }
0xbb: {  	[tilespmem:$0x5D0] =	vst @!p2 v2  }
0xbc: {  	[tilespmem:$0x5E0] =	vst @!p2 v2  }
0xbd: {  	[tilespmem:$0x5F0] =	vst @!p2 v2  }
0xbe: {  	[tilespmem:$0x600] =	vst @!p2 v2  }
0xbf: {  	[tilespmem:$0x610] =	vst @!p2 v2  }
0xc0: {  	[tilespmem:$0x620] =	vst @!p2 v2  }
0xc1: {  	[tilespmem:$0x630] =	vst @!p2 v2  }
0xc2: {  	[tilespmem:$0x640] =	vst @!p2 v2  }
0xc3: {  	[tilespmem:$0x650] =	vst @!p2 v2  }
0xc4: {  	[tilespmem:$0x660] =	vst @!p2 v2  }
0xc5: {  	[tilespmem:$0x670] =	vst @!p2 v2  }
0xc6: {  	[tilespmem:$0x680] =	vst @!p2 v2  }
0xc7: {  	v41 =	vld [tilespmem:$0x240];
	[tilespmem:$0x690] =	vst @!p2 v2  }
0xc8: {  	[tilespmem:$0x6A0] =	vst @!p2 v2  }
0xc9: {  	v43 =	vld [tilespmem:$0x4C0];
	[tilespmem:$0x6B0] =	vst @!p2 v2  }
0xca: {  	v53 =	vld [tilespmem:$0x270];
	[tilespmem:$0x6C0] =	vst @!p2 v2  }
0xcb: {  	[tilespmem:$0x6D0] =	vst @!p2 v2  }
0xcc: {  	v56 =	vld [tilespmem:$0x4F0];
	v3 =	vmul.f32 $1.280000000e+02, v41;
	[tilespmem:$0x6E0] =	vst @!p2 v2  }
0xcd: {  	[tilespmem:$0x6F0] =	vst @!p2 v2  }
0xce: {  	v3 =	vadd.f32 v43, v3;
	[tilespmem:$0x700] =	vst @!p2 v2  }
0xcf: {  	v7 =	vmul.f32 $1.280000000e+02, v53;
	[tilespmem:$0x710] =	vst @!p2 v2  }
0xd0: {  	v3 =	vtrunc.f32 v3;
	[tilespmem:$0x720] =	vst @!p2 v2  }
0xd1: {  	v62 =	vadd.f32 v56, v7;
	v3 =	vcvt.f32.s32 v3;
	[tilespmem:$0x730] =	vst @!p2 v2  }
0xd2: {  	[tilespmem:$0x750] =	vst @!p2 v2  }
0xd3: {  	[tilespmem:$0x740] =	vst v3;
	v3 =	vtrunc.f32 v62  }
0xd4: {  	[tilespmem:$0x760] =	vst @!p2 v2;
	v3 =	vcvt.f32.s32 v3  }
0xd5: {  	[tilespmem:$0x740] =	vst @!p2 v2  }
0xd6: {  	[tilespmem:$0x770] =	vst v3  }
0xd7: {  	[tilespmem:$0x770] =	vst @!p2 v2  }
0xd8: {  	_ =	swait.ge [sflag:s10], $0x330  }
0xd9: {  	[sflag:s10] =	ssyncset.done $0x0  }
0xda: {  	[sflag:s10] =	ssyncadd.s32 $0xFFFFFCD0  }
0xdb: {  	[bflag:$0x0] =	sbarrier.arrive $0xFFFF  }
0xdc: {  	[spmem:s1] =	stream.indirect.scatter.add.f32 [tilespmem:s13], [sflag:$0x1], $0x1, s12, s11, $0xb8;
	[tilespmem:$0xEB0] =	vst v63  }
0xdd: {  	_ = 	snop  }
0xde: {  	[spmem:s1] =	stream.indirect.scatter.add.f32 [tilespmem:s13], [sflag:$0x1], $0x1, s14, s11, $0xb8;
	[tilespmem:$0xEB0] =	vst v63  }
0xdf: {  	_ = 	snop  }
0xe0: {  	[spmem:s1] =	stream.indirect.scatter.add.f32 [tilespmem:s13], [sflag:$0x1], $0x1, s15, s11, $0xb8;
	[tilespmem:$0xEB0] =	vst v63  }
0xe1: {  	_ = 	snop  }
0xe2: {  	[spmem:s1] =	stream.indirect.scatter.add.f32 [tilespmem:s13], [sflag:$0x1], $0x1, s16, s11, $0xb8;
	[tilespmem:$0xEB0] =	vst v63  }
0xe3: {  	_ = 	snop  }
0xe4: {  	[spmem:s1] =	stream.indirect.scatter.add.f32 [tilespmem:s13], [sflag:$0x1], $0x1, s17, s11, $0xb8;
	[tilespmem:$0xEB0] =	vst v63  }
0xe5: {  	_ =	swait.ge [sflag:s18], $0x80  }
0xe6: {  	[sflag:s18] =	ssyncset.done $0x0  }
0xe7: {  	[sflag:s18] =	ssyncadd.s32 $0xFFFFFF80  }
0xe8: {  	_ =	swait.ge [sflag:s18], $0x80  }
0xe9: {  	[sflag:s18] =	ssyncset.done $0x0  }
0xea: {  	[sflag:s18] =	ssyncadd.s32 $0xFFFFFF80  }
0xeb: {  	_ =	swait.ge [sflag:s18], $0x80  }
0xec: {  	[sflag:s18] =	ssyncset.done $0x0  }
0xed: {  	[sflag:s18] =	ssyncadd.s32 $0xFFFFFF80  }
0xee: {  	_ =	swait.ge [sflag:s18], $0x80  }
0xef: {  	[sflag:s18] =	ssyncset.done $0x0  }
0xf0: {  	[sflag:s18] =	ssyncadd.s32 $0xFFFFFF80  }
0xf1: {  	_ =	swait.ge [sflag:s18], $0x80  }
0xf2: {  	s22 =	simm.s32 @!p0 $0x10;
	s8 =	sadd.s32 $0xFFFFFFFF, s8;
	[sflag:s18] =	ssyncset.done $0x0  }
0xf3: {  	s23 =	simm.s32 @!p0 $0x1C04;
	p3 =	sne.s32 s8, $0x0;
	[sflag:s18] =	ssyncadd.s32 $0xFFFFFF80  }
0xf4: {  	s21 =	simm.s32 @!p0 $0x20;
	s20 =	simm.s32 @!p0 $0x1;
	[bflag:$0x0] =	sbarrier.arrive $0xFFFF  }
0xf5: {  	[hbm:s7@s21], [sflag:s23] =	dma.strided @!p0 [spmem:s19@s22], $0x640, s20, $0x10   }
.Ltmp0:
0xf6: {  	_ = 	snop;
	(pc) =	sbr.rel @p3 .LBB2_1-.Ltmp0, $4  }
0xf7: {  	s20 =	simm.s32 @!p0 $0x4  }
0xf8: {  	_ =	swait.ge @!p0 [sflag:s20], $0x640  }
0xf9: {  	[sflag:s20] =	ssyncset.done @!p0 $0x0  }
0xfa: {  	[sflag:s20] =	ssyncadd.s32 @!p0 $0xFFFFF9C0  }
0xfb: {  	_ =	sfence.sel $0x180000  }
0xfc: {  	[bflag:$0x0] =	sbarrier.arrive $0xFFFF  }
0xfd: {  	_ =	strace $0x90000047  }
0xfe: {  	s0 =	sadd.s32 @!p0 $0x100000, s0;
	[bflag:$0x2] =	sbarrier.arrive $0xFFFF  }
0xff: {  	[sflag:s0] =	ssyncadd.tile.s32 @!p0 $0x1;
	_ =	shalt  }
.Lfunc_end2:
_tile_overlayer_lowered:
.L_overlay_start_2:
0x100: {  	(tag) =	ssettag $0x2  }
0x101: {  	s0 =	rddreg [dreg:$0x0];
	s2 =	stileid.u32  }
0x102: {  	s1 =	rddreg [dreg:$0x1];
	p0 =	sne.s32 s2, $0x0  }
0x103: {  	s3 =	rddreg [dreg:$0x2];
	[bflag:$0x3] =	sbarrier.arrive $0xFFFF;
	s2 =	simm.s32 @!p0 $0x1C04  }
0x104: {  	[timem:s3], [sflag:s2] =	dma.local @!p0 [hbm:s0], s1  }
0x105: {  	s0 =	simm.s32 @!p0 $0x4  }
0x106: {  	_ =	swait.ge @!p0 [sflag:s0], s1  }
0x107: {  	s1 =	ssub.s32 @!p0 $0x0, s1;
	[sflag:s0] =	ssyncset.done @!p0 $0x0  }
0x108: {  	[sflag:s0] =	ssyncadd.s32 @!p0 s1  }
0x109: {  	[bflag:$0x3] =	sbarrier.arrive $0xFFFF  }
0x10a: {  	_ =	shalt  }

</sc_bundles>
